<compile_context>
chip_gen: v7x
topology: tpu7x:2x2x1
jax: 0.10.2.dev20260603
libtpu: 0.0.44.dev20260713+nightly
codegen_flags: <defaults>
</compile_context>

<pallas_src>
import jax
import jax.numpy as jnp
from jax import lax
from jax.experimental import pallas as pl
from jax.experimental.pallas import tpu as pltpu
from jax.experimental.pallas import tpu_sc as plsc

VOCAB = 1000000
MAX_LEN = 512
N_SEG = 3
HIDDEN = 64
HPAD = 128
B, L = 1024, 200
N_TOK = B * L

NC, NS, LANES = 2, 16, 16
NW = NC * NS

TPW = N_TOK // NW
C = 400
G = 128
NCH = TPW // C
PSROWS = N_SEG * MAX_LEN
ROWS_PER_TILE = MAX_LEN // NS

_mesh = plsc.VectorSubcoreMesh(core_axis_name="c", subcore_axis_name="s")
_params = pltpu.CompilerParams(needs_layout_passes=False,
                               use_tc_tiling_on_sc=True)


def _lookup_body(tok_hbm, pos_hbm, seg_hbm, t_hbm, p_hbm, s_hbm, out_hbm,
                 ps_sh, pbuf, psbuf, s_v, tpad, psrows,
                 tokidx, posidx, segidx, psidx, sem, gsem, psem):
    cid = lax.axis_index("c")
    sid = lax.axis_index("s")
    wid = sid * NC + cid
    base = wid * TPW

    prow0 = sid * ROWS_PER_TILE
    pltpu.sync_copy(p_hbm.at[pl.ds(prow0, ROWS_PER_TILE)], pbuf)
    pltpu.sync_copy(s_hbm, s_v)
    for s in range(N_SEG):
        def srow_body(r, carry):
            for c in range(HPAD // LANES):
                sl = pl.ds(c * LANES, LANES)
                psbuf[r, sl] = pbuf[r, sl] + s_v[s, sl]
            return carry
        lax.fori_loop(0, ROWS_PER_TILE, srow_body, 0)
        pltpu.sync_copy(psbuf, ps_sh.at[pl.ds(s * MAX_LEN + prow0,
                                              ROWS_PER_TILE)])
    plsc.subcore_barrier()

    def chunk_body(ch, carry):
        off = base + ch * C
        d_tok = pltpu.make_async_copy(tok_hbm.at[pl.ds(off, C)], tokidx, sem)
        d_pos = pltpu.make_async_copy(pos_hbm.at[pl.ds(off, C)], posidx, sem)
        d_seg = pltpu.make_async_copy(seg_hbm.at[pl.ds(off, C)], segidx, sem)
        d_tok.start()
        d_pos.start()
        d_seg.start()
        d_tok.wait()
        d_pos.wait()
        d_seg.wait()

        def psx_body(g, carry2):
            sl = pl.ds(g * LANES, LANES)
            psidx[sl] = (segidx[sl] << 9) + posidx[sl]
            return carry2
        lax.fori_loop(0, C // LANES, psx_body, 0, unroll=4)

        ds_ = []
        o = 0
        while o < C:
            n = min(G, C - o)
            sl = pl.ds(o, n)
            d = pltpu.make_async_copy(t_hbm.at[tokidx.at[sl]],
                                      tpad.at[sl], gsem)
            d.start()
            ds_.append(d)
            d = pltpu.make_async_copy(ps_sh.at[psidx.at[sl]],
                                      psrows.at[sl], psem)
            d.start()
            ds_.append(d)
            o += n
        for d in ds_:
            d.wait()

        def add_body(r, carry2):
            for c in range(HIDDEN // LANES):
                sl = pl.ds(c * LANES, LANES)
                plsc.addupdate(tpad.at[r, sl], psrows[r, sl])
            return carry2
        lax.fori_loop(0, C, add_body, 0, unroll=2)

        pltpu.sync_copy(tpad, out_hbm.at[pl.ds(off, C)])
        return carry

    lax.fori_loop(0, NCH, chunk_body, 0)


@jax.jit
def _bert_embed(tok, pos, seg, t128, p_pad, s_pad):
    lookup = pl.kernel(
        _lookup_body,
        out_type=jax.ShapeDtypeStruct((N_TOK, HPAD), jnp.float32),
        mesh=_mesh,
        scratch_types=[
            pltpu.VMEM_SHARED((PSROWS, HPAD), jnp.float32),
            pltpu.VMEM((ROWS_PER_TILE, HPAD), jnp.float32),
            pltpu.VMEM((ROWS_PER_TILE, HPAD), jnp.float32),
            pltpu.VMEM((N_SEG, HPAD), jnp.float32),
            pltpu.VMEM((C, HPAD), jnp.float32),
            pltpu.VMEM((C, HPAD), jnp.float32),
            pltpu.VMEM((C,), jnp.int32),
            pltpu.VMEM((C,), jnp.int32),
            pltpu.VMEM((C,), jnp.int32),
            pltpu.VMEM((C,), jnp.int32),
            pltpu.SemaphoreType.DMA,
            pltpu.SemaphoreType.DMA,
            pltpu.SemaphoreType.DMA,
        ],
        compiler_params=_params,
    )
    return lookup(tok, pos, seg, t128, p_pad, s_pad)


def kernel(input_batch, segment, position, t_table, p_table, s_table):
    tok = input_batch.reshape(N_TOK)
    pos = position.reshape(N_TOK)
    seg = segment.reshape(N_TOK)
    t_pad = jnp.pad(t_table, ((0, 0), (0, HPAD - HIDDEN)))
    p_pad = jnp.pad(p_table, ((0, 0), (0, HPAD - HIDDEN)))
    s_pad = jnp.pad(s_table, ((0, 0), (0, HPAD - HIDDEN)))
    out = _bert_embed(tok, pos, seg, t_pad, p_pad, s_pad)
    return out[:, :HIDDEN].reshape(B, L, HIDDEN)

# --- scband reference (transcript-rebuilt; emitter-appended) ---
"""Pipeline reference for scband-bertembedding-53352083751366 (READ-ONLY COPY).

The authoritative reference and input builder live on the scoring server;
editing this copy changes nothing except your own understanding.
"""

import jax, jax.numpy as jnp
import numpy as np

VOCAB = 1000000
MAX_LEN = 512
HIDDEN = 64
B, L = 1024, 200

def setup_inputs(seed: int = 0) -> dict:
    key = jax.random.key(seed)
    k1, k2, k3, k4, k5, k6 = jax.random.split(key, 6)
    input_batch = jax.random.randint(k1, (B, L), 0, VOCAB, dtype=jnp.int64 if jax.config.jax_enable_x64 else jnp.int32).astype(jnp.int32)
    segment = jax.random.randint(k2, (B, L), 0, 3).astype(jnp.int32)
    position = jax.random.randint(k3, (B, L), 0, MAX_LEN).astype(jnp.int32)
    t_table = jax.random.normal(k4, (VOCAB, HIDDEN), dtype=jnp.float32) * 0.02
    p_table = jax.random.normal(k5, (MAX_LEN, HIDDEN), dtype=jnp.float32) * 0.02
    s_table = jax.random.normal(k6, (3, HIDDEN), dtype=jnp.float32) * 0.02
    return {"input_batch": input_batch, "segment": segment, "position": position,
            "t_table": t_table, "p_table": p_table, "s_table": s_table}

def reference(input_batch, segment, position, t_table, p_table, s_table):
    # BERTEmbedding.forward: sum of token, position, segment embeddings.
    # Dropout is identity in eval mode. The internally-computed `positions`
    # tensor in the original code is dead (never used in the output).
    t_emb = jnp.take(t_table, input_batch, axis=0)
    p_emb = jnp.take(p_table, position, axis=0)
    s_emb = jnp.take(s_table, segment, axis=0)
    return t_emb + p_emb + s_emb

if __name__ == "__main__":
    import jax
    _d = setup_inputs()
    print(jax.jit(kernel)(*tuple(_d.values())))

</pallas_src>

<mosaic_0001>
#map = affine_map<(d0, d1) -> (0)>
#map1 = affine_map<(d0, d1) -> (0, 0)>
module attributes {stable_mosaic.version = 14 : i64} {
  func.func @_lookup_body(%arg0: i32, %arg1: i32, %arg2: memref<204800xi32, #tpu.memory_space<hbm>>, %arg3: memref<204800xi32, #tpu.memory_space<hbm>>, %arg4: memref<204800xi32, #tpu.memory_space<hbm>>, %arg5: memref<1000000x128xf32, #tpu.memory_space<hbm>>, %arg6: memref<512x128xf32, #tpu.memory_space<hbm>>, %arg7: memref<3x128xf32, #tpu.memory_space<hbm>>, %arg8: memref<204800x128xf32, #tpu.memory_space<hbm>>, %arg9: memref<1536x128xf32, #tpu.memory_space<vmem_shared>>, %arg10: memref<32x128xf32, #tpu.memory_space<vmem>>, %arg11: memref<32x128xf32, #tpu.memory_space<vmem>>, %arg12: memref<3x128xf32, #tpu.memory_space<vmem>>, %arg13: memref<400x128xf32, #tpu.memory_space<vmem>>, %arg14: memref<400x128xf32, #tpu.memory_space<vmem>>, %arg15: memref<400xi32, #tpu.memory_space<vmem>>, %arg16: memref<400xi32, #tpu.memory_space<vmem>>, %arg17: memref<400xi32, #tpu.memory_space<vmem>>, %arg18: memref<400xi32, #tpu.memory_space<vmem>>, %arg19: memref<!tpu.dma_semaphore, #tpu.memory_space<semaphore_mem>>, %arg20: memref<!tpu.dma_semaphore, #tpu.memory_space<semaphore_mem>>, %arg21: memref<!tpu.dma_semaphore, #tpu.memory_space<semaphore_mem>>) attributes {dimension_semantics = [#tpu.dimension_semantics<core_parallel>, #tpu.dimension_semantics<subcore_parallel>], iteration_bounds = array<i64: 2, 16>, scalar_prefetch = 0 : i64, scratch_operands = 13 : i64, tpu.core_type = #tpu.core_type<sc_vector_subcore>, window_params = [{transform_indices = #map}, {transform_indices = #map}, {transform_indices = #map}, {transform_indices = #map1}, {transform_indices = #map1}, {transform_indices = #map1}, {transform_indices = #map1}]} {
    %mul3A = arith.constant 2 : i32
    %mul3A_0 = arith.muli %arg1, %mul3A : i32
    %add3A = arith.addi %mul3A_0, %arg0 : i32
    %mul3A_1 = arith.constant 6400 : i32
    %mul3A_2 = arith.muli %add3A, %mul3A_1 : i32
    %mul3A_3 = arith.constant 32 : i32
    %mul3A_4 = arith.muli %arg1, %mul3A_3 : i32
    "tpu.region"() ({
      %run_scoped3A = tpu.sem_alloc : memref<!tpu.dma_semaphore, #tpu.memory_space<semaphore_mem>>
      %dma_start3A = arith.constant 0 : i32
      %dma_start3A_34 = tpu.memref_slice %arg6[%mul3A_4, %dma_start3A] : memref<512x128xf32, #tpu.memory_space<hbm>> -> memref<32x128xf32, #tpu.memory_space<hbm>>
      %dma_start3A_35 = arith.constant 0 : i32
      %dma_start3A_36 = tpu.memref_slice %arg6[%mul3A_4, %dma_start3A_35] : memref<512x128xf32, #tpu.memory_space<hbm>> -> memref<32x128xf32, #tpu.memory_space<hbm>>
      tpu.enqueue_dma source(%dma_start3A_36 : memref<32x128xf32, #tpu.memory_space<hbm>>) target(%arg10 : memref<32x128xf32, #tpu.memory_space<vmem>>) target_semaphore(%run_scoped3A : memref<!tpu.dma_semaphore, #tpu.memory_space<semaphore_mem>>)
      %dma_wait3A = arith.constant 0 : i32
      %dma_wait3A_37 = tpu.memref_slice %arg6[%mul3A_4, %dma_wait3A] : memref<512x128xf32, #tpu.memory_space<hbm>> -> memref<32x128xf32, #tpu.memory_space<hbm>>
      %dma_wait3A_38 = arith.constant 0 : i32
      %dma_wait3A_39 = tpu.memref_slice %arg6[%mul3A_4, %dma_wait3A_38] : memref<512x128xf32, #tpu.memory_space<hbm>> -> memref<32x128xf32, #tpu.memory_space<hbm>>
      tpu.wait_dma2 semaphore(%run_scoped3A : memref<!tpu.dma_semaphore, #tpu.memory_space<semaphore_mem>>) src(%dma_wait3A_39 : memref<32x128xf32, #tpu.memory_space<hbm>>) dst(%arg10 : memref<32x128xf32, #tpu.memory_space<vmem>>)
      tpu.yield
    }) : () -> ()
    "tpu.region"() ({
      %run_scoped3A = tpu.sem_alloc : memref<!tpu.dma_semaphore, #tpu.memory_space<semaphore_mem>>
      tpu.enqueue_dma source(%arg7 : memref<3x128xf32, #tpu.memory_space<hbm>>) target(%arg12 : memref<3x128xf32, #tpu.memory_space<vmem>>) target_semaphore(%run_scoped3A : memref<!tpu.dma_semaphore, #tpu.memory_space<semaphore_mem>>)
      tpu.wait_dma2 semaphore(%run_scoped3A : memref<!tpu.dma_semaphore, #tpu.memory_space<semaphore_mem>>) src(%arg7 : memref<3x128xf32, #tpu.memory_space<hbm>>) dst(%arg12 : memref<3x128xf32, #tpu.memory_space<vmem>>)
      tpu.yield
    }) : () -> ()
    %scan3A = arith.constant 0 : i32
    %scan3A_5 = arith.constant 0 : i32
    %scan3A_6 = arith.constant 32 : i32
    %scan3A_7 = arith.addi %scan3A_5, %scan3A_6 : i32
    %scan3A_8 = arith.constant 1 : i32
    scf.for %scan3A_34 = %scan3A_5 to %scan3A_7 step %scan3A_8  : i32 {
      %get3A = arith.index_cast %scan3A_34 : i32 to index
      %get3A_35 = arith.constant 0 : index
      %get3A_36 = tpu.vector_load %arg10[%get3A, %get3A_35] {strides = array<i32>} : memref<32x128xf32, #tpu.memory_space<vmem>>, vector<16xf32>,
      %get3A_37 = arith.constant 0 : i32
      %get3A_38 = arith.index_cast %get3A_37 : i32 to index
      %get3A_39 = arith.constant 0 : index
      %get3A_40 = tpu.vector_load %arg12[%get3A_38, %get3A_39] {strides = array<i32>} : memref<3x128xf32, #tpu.memory_space<vmem>>, vector<16xf32>,
      %add3A_41 = arith.addf %get3A_36, %get3A_40 : vector<16xf32>
      %swap3A = arith.index_cast %scan3A_34 : i32 to index
      %swap3A_42 = arith.constant 0 : index
      %swap3A_43 = tpu.vector_load %arg11[%swap3A, %swap3A_42] {strides = array<i32>} : memref<32x128xf32, #tpu.memory_space<vmem>>, vector<16xf32>,
      tpu.vector_store %arg11[%swap3A, %swap3A_42], %add3A_41 {strides = array<i32>} : memref<32x128xf32, #tpu.memory_space<vmem>>, vector<16xf32>,
      %get3A_44 = arith.index_cast %scan3A_34 : i32 to index
      %get3A_45 = arith.constant 16 : index
      %get3A_46 = tpu.vector_load %arg10[%get3A_44, %get3A_45] {strides = array<i32>} : memref<32x128xf32, #tpu.memory_space<vmem>>, vector<16xf32>,
      %get3A_47 = arith.constant 0 : i32
      %get3A_48 = arith.index_cast %get3A_47 : i32 to index
      %get3A_49 = arith.constant 16 : index
      %get3A_50 = tpu.vector_load %arg12[%get3A_48, %get3A_49] {strides = array<i32>} : memref<3x128xf32, #tpu.memory_space<vmem>>, vector<16xf32>,
      %add3A_51 = arith.addf %get3A_46, %get3A_50 : vector<16xf32>
      %swap3A_52 = arith.index_cast %scan3A_34 : i32 to index
      %swap3A_53 = arith.constant 16 : index
      %swap3A_54 = tpu.vector_load %arg11[%swap3A_52, %swap3A_53] {strides = array<i32>} : memref<32x128xf32, #tpu.memory_space<vmem>>, vector<16xf32>,
      tpu.vector_store %arg11[%swap3A_52, %swap3A_53], %add3A_51 {strides = array<i32>} : memref<32x128xf32, #tpu.memory_space<vmem>>, vector<16xf32>,
      %get3A_55 = arith.index_cast %scan3A_34 : i32 to index
      %get3A_56 = arith.constant 32 : index
      %get3A_57 = tpu.vector_load %arg10[%get3A_55, %get3A_56] {strides = array<i32>} : memref<32x128xf32, #tpu.memory_space<vmem>>, vector<16xf32>,
      %get3A_58 = arith.constant 0 : i32
      %get3A_59 = arith.index_cast %get3A_58 : i32 to index
      %get3A_60 = arith.constant 32 : index
      %get3A_61 = tpu.vector_load %arg12[%get3A_59, %get3A_60] {strides = array<i32>} : memref<3x128xf32, #tpu.memory_space<vmem>>, vector<16xf32>,
      %add3A_62 = arith.addf %get3A_57, %get3A_61 : vector<16xf32>
      %swap3A_63 = arith.index_cast %scan3A_34 : i32 to index
      %swap3A_64 = arith.constant 32 : index
      %swap3A_65 = tpu.vector_load %arg11[%swap3A_63, %swap3A_64] {strides = array<i32>} : memref<32x128xf32, #tpu.memory_space<vmem>>, vector<16xf32>,
      tpu.vector_store %arg11[%swap3A_63, %swap3A_64], %add3A_62 {strides = array<i32>} : memref<32x128xf32, #tpu.memory_space<vmem>>, vector<16xf32>,
      %get3A_66 = arith.index_cast %scan3A_34 : i32 to index
      %get3A_67 = arith.constant 48 : index
      %get3A_68 = tpu.vector_load %arg10[%get3A_66, %get3A_67] {strides = array<i32>} : memref<32x128xf32, #tpu.memory_space<vmem>>, vector<16xf32>,
      %get3A_69 = arith.constant 0 : i32
      %get3A_70 = arith.index_cast %get3A_69 : i32 to index
      %get3A_71 = arith.constant 48 : index
      %get3A_72 = tpu.vector_load %arg12[%get3A_70, %get3A_71] {strides = array<i32>} : memref<3x128xf32, #tpu.memory_space<vmem>>, vector<16xf32>,
      %add3A_73 = arith.addf %get3A_68, %get3A_72 : vector<16xf32>
      %swap3A_74 = arith.index_cast %scan3A_34 : i32 to index
      %swap3A_75 = arith.constant 48 : index
      %swap3A_76 = tpu.vector_load %arg11[%swap3A_74, %swap3A_75] {strides = array<i32>} : memref<32x128xf32, #tpu.memory_space<vmem>>, vector<16xf32>,
      tpu.vector_store %arg11[%swap3A_74, %swap3A_75], %add3A_73 {strides = array<i32>} : memref<32x128xf32, #tpu.memory_space<vmem>>, vector<16xf32>,
      %get3A_77 = arith.index_cast %scan3A_34 : i32 to index
      %get3A_78 = arith.constant 64 : index
      %get3A_79 = tpu.vector_load %arg10[%get3A_77, %get3A_78] {strides = array<i32>} : memref<32x128xf32, #tpu.memory_space<vmem>>, vector<16xf32>,
      %get3A_80 = arith.constant 0 : i32
      %get3A_81 = arith.index_cast %get3A_80 : i32 to index
      %get3A_82 = arith.constant 64 : index
      %get3A_83 = tpu.vector_load %arg12[%get3A_81, %get3A_82] {strides = array<i32>} : memref<3x128xf32, #tpu.memory_space<vmem>>, vector<16xf32>,
      %add3A_84 = arith.addf %get3A_79, %get3A_83 : vector<16xf32>
      %swap3A_85 = arith.index_cast %scan3A_34 : i32 to index
      %swap3A_86 = arith.constant 64 : index
      %swap3A_87 = tpu.vector_load %arg11[%swap3A_85, %swap3A_86] {strides = array<i32>} : memref<32x128xf32, #tpu.memory_space<vmem>>, vector<16xf32>,
      tpu.vector_store %arg11[%swap3A_85, %swap3A_86], %add3A_84 {strides = array<i32>} : memref<32x128xf32, #tpu.memory_space<vmem>>, vector<16xf32>,
      %get3A_88 = arith.index_cast %scan3A_34 : i32 to index
      %get3A_89 = arith.constant 80 : index
      %get3A_90 = tpu.vector_load %arg10[%get3A_88, %get3A_89] {strides = array<i32>} : memref<32x128xf32, #tpu.memory_space<vmem>>, vector<16xf32>,
      %get3A_91 = arith.constant 0 : i32
      %get3A_92 = arith.index_cast %get3A_91 : i32 to index
      %get3A_93 = arith.constant 80 : index
      %get3A_94 = tpu.vector_load %arg12[%get3A_92, %get3A_93] {strides = array<i32>} : memref<3x128xf32, #tpu.memory_space<vmem>>, vector<16xf32>,
      %add3A_95 = arith.addf %get3A_90, %get3A_94 : vector<16xf32>
      %swap3A_96 = arith.index_cast %scan3A_34 : i32 to index
      %swap3A_97 = arith.constant 80 : index
      %swap3A_98 = tpu.vector_load %arg11[%swap3A_96, %swap3A_97] {strides = array<i32>} : memref<32x128xf32, #tpu.memory_space<vmem>>, vector<16xf32>,
      tpu.vector_store %arg11[%swap3A_96, %swap3A_97], %add3A_95 {strides = array<i32>} : memref<32x128xf32, #tpu.memory_space<vmem>>, vector<16xf32>,
      %get3A_99 = arith.index_cast %scan3A_34 : i32 to index
      %get3A_100 = arith.constant 96 : index
      %get3A_101 = tpu.vector_load %arg10[%get3A_99, %get3A_100] {strides = array<i32>} : memref<32x128xf32, #tpu.memory_space<vmem>>, vector<16xf32>,
      %get3A_102 = arith.constant 0 : i32
      %get3A_103 = arith.index_cast %get3A_102 : i32 to index
      %get3A_104 = arith.constant 96 : index
      %get3A_105 = tpu.vector_load %arg12[%get3A_103, %get3A_104] {strides = array<i32>} : memref<3x128xf32, #tpu.memory_space<vmem>>, vector<16xf32>,
      %add3A_106 = arith.addf %get3A_101, %get3A_105 : vector<16xf32>
      %swap3A_107 = arith.index_cast %scan3A_34 : i32 to index
      %swap3A_108 = arith.constant 96 : index
      %swap3A_109 = tpu.vector_load %arg11[%swap3A_107, %swap3A_108] {strides = array<i32>} : memref<32x128xf32, #tpu.memory_space<vmem>>, vector<16xf32>,
      tpu.vector_store %arg11[%swap3A_107, %swap3A_108], %add3A_106 {strides = array<i32>} : memref<32x128xf32, #tpu.memory_space<vmem>>, vector<16xf32>,
      %get3A_110 = arith.index_cast %scan3A_34 : i32 to index
      %get3A_111 = arith.constant 112 : index
      %get3A_112 = tpu.vector_load %arg10[%get3A_110, %get3A_111] {strides = array<i32>} : memref<32x128xf32, #tpu.memory_space<vmem>>, vector<16xf32>,
      %get3A_113 = arith.constant 0 : i32
      %get3A_114 = arith.index_cast %get3A_113 : i32 to index
      %get3A_115 = arith.constant 112 : index
      %get3A_116 = tpu.vector_load %arg12[%get3A_114, %get3A_115] {strides = array<i32>} : memref<3x128xf32, #tpu.memory_space<vmem>>, vector<16xf32>,
      %add3A_117 = arith.addf %get3A_112, %get3A_116 : vector<16xf32>
      %swap3A_118 = arith.index_cast %scan3A_34 : i32 to index
      %swap3A_119 = arith.constant 112 : index
      %swap3A_120 = tpu.vector_load %arg11[%swap3A_118, %swap3A_119] {strides = array<i32>} : memref<32x128xf32, #tpu.memory_space<vmem>>, vector<16xf32>,
      tpu.vector_store %arg11[%swap3A_118, %swap3A_119], %add3A_117 {strides = array<i32>} : memref<32x128xf32, #tpu.memory_space<vmem>>, vector<16xf32>,
    }
    %scan3A_9 = arith.constant 32 : i32
    %add3A_10 = arith.constant 0 : i32
    %add3A_11 = arith.addi %add3A_10, %mul3A_4 : i32
    "tpu.region"() ({
      %run_scoped3A = tpu.sem_alloc : memref<!tpu.dma_semaphore, #tpu.memory_space<semaphore_mem>>
      %dma_start3A = arith.constant 0 : i32
      %dma_start3A_34 = tpu.memref_slice %arg9[%add3A_11, %dma_start3A] : memref<1536x128xf32, #tpu.memory_space<vmem_shared>> -> memref<32x128xf32, #tpu.memory_space<vmem_shared>>
      %dma_start3A_35 = arith.constant 0 : i32
      %dma_start3A_36 = tpu.memref_slice %arg9[%add3A_11, %dma_start3A_35] : memref<1536x128xf32, #tpu.memory_space<vmem_shared>> -> memref<32x128xf32, #tpu.memory_space<vmem_shared>>
      tpu.enqueue_dma source(%arg11 : memref<32x128xf32, #tpu.memory_space<vmem>>) target(%dma_start3A_36 : memref<32x128xf32, #tpu.memory_space<vmem_shared>>) target_semaphore(%run_scoped3A : memref<!tpu.dma_semaphore, #tpu.memory_space<semaphore_mem>>)
      %dma_wait3A = arith.constant 0 : i32
      %dma_wait3A_37 = tpu.memref_slice %arg9[%add3A_11, %dma_wait3A] : memref<1536x128xf32, #tpu.memory_space<vmem_shared>> -> memref<32x128xf32, #tpu.memory_space<vmem_shared>>
      %dma_wait3A_38 = arith.constant 0 : i32
      %dma_wait3A_39 = tpu.memref_slice %arg9[%add3A_11, %dma_wait3A_38] : memref<1536x128xf32, #tpu.memory_space<vmem_shared>> -> memref<32x128xf32, #tpu.memory_space<vmem_shared>>
      tpu.wait_dma2 semaphore(%run_scoped3A : memref<!tpu.dma_semaphore, #tpu.memory_space<semaphore_mem>>) src(%arg11 : memref<32x128xf32, #tpu.memory_space<vmem>>) dst(%dma_wait3A_39 : memref<32x128xf32, #tpu.memory_space<vmem_shared>>)
      tpu.yield
    }) : () -> ()
    %scan3A_12 = arith.constant 0 : i32
    %scan3A_13 = arith.constant 0 : i32
    %scan3A_14 = arith.constant 32 : i32
    %scan3A_15 = arith.addi %scan3A_13, %scan3A_14 : i32
    %scan3A_16 = arith.constant 1 : i32
    scf.for %scan3A_34 = %scan3A_13 to %scan3A_15 step %scan3A_16  : i32 {
      %get3A = arith.index_cast %scan3A_34 : i32 to index
      %get3A_35 = arith.constant 0 : index
      %get3A_36 = tpu.vector_load %arg10[%get3A, %get3A_35] {strides = array<i32>} : memref<32x128xf32, #tpu.memory_space<vmem>>, vector<16xf32>,
      %get3A_37 = arith.constant 1 : i32
      %get3A_38 = arith.index_cast %get3A_37 : i32 to index
      %get3A_39 = arith.constant 0 : index
      %get3A_40 = tpu.vector_load %arg12[%get3A_38, %get3A_39] {strides = array<i32>} : memref<3x128xf32, #tpu.memory_space<vmem>>, vector<16xf32>,
      %add3A_41 = arith.addf %get3A_36, %get3A_40 : vector<16xf32>
      %swap3A = arith.index_cast %scan3A_34 : i32 to index
      %swap3A_42 = arith.constant 0 : index
      %swap3A_43 = tpu.vector_load %arg11[%swap3A, %swap3A_42] {strides = array<i32>} : memref<32x128xf32, #tpu.memory_space<vmem>>, vector<16xf32>,
      tpu.vector_store %arg11[%swap3A, %swap3A_42], %add3A_41 {strides = array<i32>} : memref<32x128xf32, #tpu.memory_space<vmem>>, vector<16xf32>,
      %get3A_44 = arith.index_cast %scan3A_34 : i32 to index
      %get3A_45 = arith.constant 16 : index
      %get3A_46 = tpu.vector_load %arg10[%get3A_44, %get3A_45] {strides = array<i32>} : memref<32x128xf32, #tpu.memory_space<vmem>>, vector<16xf32>,
      %get3A_47 = arith.constant 1 : i32
      %get3A_48 = arith.index_cast %get3A_47 : i32 to index
      %get3A_49 = arith.constant 16 : index
      %get3A_50 = tpu.vector_load %arg12[%get3A_48, %get3A_49] {strides = array<i32>} : memref<3x128xf32, #tpu.memory_space<vmem>>, vector<16xf32>,
      %add3A_51 = arith.addf %get3A_46, %get3A_50 : vector<16xf32>
      %swap3A_52 = arith.index_cast %scan3A_34 : i32 to index
      %swap3A_53 = arith.constant 16 : index
      %swap3A_54 = tpu.vector_load %arg11[%swap3A_52, %swap3A_53] {strides = array<i32>} : memref<32x128xf32, #tpu.memory_space<vmem>>, vector<16xf32>,
      tpu.vector_store %arg11[%swap3A_52, %swap3A_53], %add3A_51 {strides = array<i32>} : memref<32x128xf32, #tpu.memory_space<vmem>>, vector<16xf32>,
      %get3A_55 = arith.index_cast %scan3A_34 : i32 to index
      %get3A_56 = arith.constant 32 : index
      %get3A_57 = tpu.vector_load %arg10[%get3A_55, %get3A_56] {strides = array<i32>} : memref<32x128xf32, #tpu.memory_space<vmem>>, vector<16xf32>,
      %get3A_58 = arith.constant 1 : i32
      %get3A_59 = arith.index_cast %get3A_58 : i32 to index
      %get3A_60 = arith.constant 32 : index
      %get3A_61 = tpu.vector_load %arg12[%get3A_59, %get3A_60] {strides = array<i32>} : memref<3x128xf32, #tpu.memory_space<vmem>>, vector<16xf32>,
      %add3A_62 = arith.addf %get3A_57, %get3A_61 : vector<16xf32>
      %swap3A_63 = arith.index_cast %scan3A_34 : i32 to index
      %swap3A_64 = arith.constant 32 : index
      %swap3A_65 = tpu.vector_load %arg11[%swap3A_63, %swap3A_64] {strides = array<i32>} : memref<32x128xf32, #tpu.memory_space<vmem>>, vector<16xf32>,
      tpu.vector_store %arg11[%swap3A_63, %swap3A_64], %add3A_62 {strides = array<i32>} : memref<32x128xf32, #tpu.memory_space<vmem>>, vector<16xf32>,
      %get3A_66 = arith.index_cast %scan3A_34 : i32 to index
      %get3A_67 = arith.constant 48 : index
      %get3A_68 = tpu.vector_load %arg10[%get3A_66, %get3A_67] {strides = array<i32>} : memref<32x128xf32, #tpu.memory_space<vmem>>, vector<16xf32>,
      %get3A_69 = arith.constant 1 : i32
      %get3A_70 = arith.index_cast %get3A_69 : i32 to index
      %get3A_71 = arith.constant 48 : index
      %get3A_72 = tpu.vector_load %arg12[%get3A_70, %get3A_71] {strides = array<i32>} : memref<3x128xf32, #tpu.memory_space<vmem>>, vector<16xf32>,
      %add3A_73 = arith.addf %get3A_68, %get3A_72 : vector<16xf32>
      %swap3A_74 = arith.index_cast %scan3A_34 : i32 to index
      %swap3A_75 = arith.constant 48 : index
      %swap3A_76 = tpu.vector_load %arg11[%swap3A_74, %swap3A_75] {strides = array<i32>} : memref<32x128xf32, #tpu.memory_space<vmem>>, vector<16xf32>,
      tpu.vector_store %arg11[%swap3A_74, %swap3A_75], %add3A_73 {strides = array<i32>} : memref<32x128xf32, #tpu.memory_space<vmem>>, vector<16xf32>,
      %get3A_77 = arith.index_cast %scan3A_34 : i32 to index
      %get3A_78 = arith.constant 64 : index
      %get3A_79 = tpu.vector_load %arg10[%get3A_77, %get3A_78] {strides = array<i32>} : memref<32x128xf32, #tpu.memory_space<vmem>>, vector<16xf32>,
      %get3A_80 = arith.constant 1 : i32
      %get3A_81 = arith.index_cast %get3A_80 : i32 to index
      %get3A_82 = arith.constant 64 : index
      %get3A_83 = tpu.vector_load %arg12[%get3A_81, %get3A_82] {strides = array<i32>} : memref<3x128xf32, #tpu.memory_space<vmem>>, vector<16xf32>,
      %add3A_84 = arith.addf %get3A_79, %get3A_83 : vector<16xf32>
      %swap3A_85 = arith.index_cast %scan3A_34 : i32 to index
      %swap3A_86 = arith.constant 64 : index
      %swap3A_87 = tpu.vector_load %arg11[%swap3A_85, %swap3A_86] {strides = array<i32>} : memref<32x128xf32, #tpu.memory_space<vmem>>, vector<16xf32>,
      tpu.vector_store %arg11[%swap3A_85, %swap3A_86], %add3A_84 {strides = array<i32>} : memref<32x128xf32, #tpu.memory_space<vmem>>, vector<16xf32>,
      %get3A_88 = arith.index_cast %scan3A_34 : i32 to index
      %get3A_89 = arith.constant 80 : index
      %get3A_90 = tpu.vector_load %arg10[%get3A_88, %get3A_89] {strides = array<i32>} : memref<32x128xf32, #tpu.memory_space<vmem>>, vector<16xf32>,
      %get3A_91 = arith.constant 1 : i32
      %get3A_92 = arith.index_cast %get3A_91 : i32 to index
      %get3A_93 = arith.constant 80 : index
      %get3A_94 = tpu.vector_load %arg12[%get3A_92, %get3A_93] {strides = array<i32>} : memref<3x128xf32, #tpu.memory_space<vmem>>, vector<16xf32>,
      %add3A_95 = arith.addf %get3A_90, %get3A_94 : vector<16xf32>
      %swap3A_96 = arith.index_cast %scan3A_34 : i32 to index
      %swap3A_97 = arith.constant 80 : index
      %swap3A_98 = tpu.vector_load %arg11[%swap3A_96, %swap3A_97] {strides = array<i32>} : memref<32x128xf32, #tpu.memory_space<vmem>>, vector<16xf32>,
      tpu.vector_store %arg11[%swap3A_96, %swap3A_97], %add3A_95 {strides = array<i32>} : memref<32x128xf32, #tpu.memory_space<vmem>>, vector<16xf32>,
      %get3A_99 = arith.index_cast %scan3A_34 : i32 to index
      %get3A_100 = arith.constant 96 : index
      %get3A_101 = tpu.vector_load %arg10[%get3A_99, %get3A_100] {strides = array<i32>} : memref<32x128xf32, #tpu.memory_space<vmem>>, vector<16xf32>,
      %get3A_102 = arith.constant 1 : i32
      %get3A_103 = arith.index_cast %get3A_102 : i32 to index
      %get3A_104 = arith.constant 96 : index
      %get3A_105 = tpu.vector_load %arg12[%get3A_103, %get3A_104] {strides = array<i32>} : memref<3x128xf32, #tpu.memory_space<vmem>>, vector<16xf32>,
      %add3A_106 = arith.addf %get3A_101, %get3A_105 : vector<16xf32>
      %swap3A_107 = arith.index_cast %scan3A_34 : i32 to index
      %swap3A_108 = arith.constant 96 : index
      %swap3A_109 = tpu.vector_load %arg11[%swap3A_107, %swap3A_108] {strides = array<i32>} : memref<32x128xf32, #tpu.memory_space<vmem>>, vector<16xf32>,
      tpu.vector_store %arg11[%swap3A_107, %swap3A_108], %add3A_106 {strides = array<i32>} : memref<32x128xf32, #tpu.memory_space<vmem>>, vector<16xf32>,
      %get3A_110 = arith.index_cast %scan3A_34 : i32 to index
      %get3A_111 = arith.constant 112 : index
      %get3A_112 = tpu.vector_load %arg10[%get3A_110, %get3A_111] {strides = array<i32>} : memref<32x128xf32, #tpu.memory_space<vmem>>, vector<16xf32>,
      %get3A_113 = arith.constant 1 : i32
      %get3A_114 = arith.index_cast %get3A_113 : i32 to index
      %get3A_115 = arith.constant 112 : index
      %get3A_116 = tpu.vector_load %arg12[%get3A_114, %get3A_115] {strides = array<i32>} : memref<3x128xf32, #tpu.memory_space<vmem>>, vector<16xf32>,
      %add3A_117 = arith.addf %get3A_112, %get3A_116 : vector<16xf32>
      %swap3A_118 = arith.index_cast %scan3A_34 : i32 to index
      %swap3A_119 = arith.constant 112 : index
      %swap3A_120 = tpu.vector_load %arg11[%swap3A_118, %swap3A_119] {strides = array<i32>} : memref<32x128xf32, #tpu.memory_space<vmem>>, vector<16xf32>,
      tpu.vector_store %arg11[%swap3A_118, %swap3A_119], %add3A_117 {strides = array<i32>} : memref<32x128xf32, #tpu.memory_space<vmem>>, vector<16xf32>,
    }
    %scan3A_17 = arith.constant 32 : i32
    %add3A_18 = arith.constant 512 : i32
    %add3A_19 = arith.addi %add3A_18, %mul3A_4 : i32
    "tpu.region"() ({
      %run_scoped3A = tpu.sem_alloc : memref<!tpu.dma_semaphore, #tpu.memory_space<semaphore_mem>>
      %dma_start3A = arith.constant 0 : i32
      %dma_start3A_34 = tpu.memref_slice %arg9[%add3A_19, %dma_start3A] : memref<1536x128xf32, #tpu.memory_space<vmem_shared>> -> memref<32x128xf32, #tpu.memory_space<vmem_shared>>
      %dma_start3A_35 = arith.constant 0 : i32
      %dma_start3A_36 = tpu.memref_slice %arg9[%add3A_19, %dma_start3A_35] : memref<1536x128xf32, #tpu.memory_space<vmem_shared>> -> memref<32x128xf32, #tpu.memory_space<vmem_shared>>
      tpu.enqueue_dma source(%arg11 : memref<32x128xf32, #tpu.memory_space<vmem>>) target(%dma_start3A_36 : memref<32x128xf32, #tpu.memory_space<vmem_shared>>) target_semaphore(%run_scoped3A : memref<!tpu.dma_semaphore, #tpu.memory_space<semaphore_mem>>)
      %dma_wait3A = arith.constant 0 : i32
      %dma_wait3A_37 = tpu.memref_slice %arg9[%add3A_19, %dma_wait3A] : memref<1536x128xf32, #tpu.memory_space<vmem_shared>> -> memref<32x128xf32, #tpu.memory_space<vmem_shared>>
      %dma_wait3A_38 = arith.constant 0 : i32
      %dma_wait3A_39 = tpu.memref_slice %arg9[%add3A_19, %dma_wait3A_38] : memref<1536x128xf32, #tpu.memory_space<vmem_shared>> -> memref<32x128xf32, #tpu.memory_space<vmem_shared>>
      tpu.wait_dma2 semaphore(%run_scoped3A : memref<!tpu.dma_semaphore, #tpu.memory_space<semaphore_mem>>) src(%arg11 : memref<32x128xf32, #tpu.memory_space<vmem>>) dst(%dma_wait3A_39 : memref<32x128xf32, #tpu.memory_space<vmem_shared>>)
      tpu.yield
    }) : () -> ()
    %scan3A_20 = arith.constant 0 : i32
    %scan3A_21 = arith.constant 0 : i32
    %scan3A_22 = arith.constant 32 : i32
    %scan3A_23 = arith.addi %scan3A_21, %scan3A_22 : i32
    %scan3A_24 = arith.constant 1 : i32
    scf.for %scan3A_34 = %scan3A_21 to %scan3A_23 step %scan3A_24  : i32 {
      %get3A = arith.index_cast %scan3A_34 : i32 to index
      %get3A_35 = arith.constant 0 : index
      %get3A_36 = tpu.vector_load %arg10[%get3A, %get3A_35] {strides = array<i32>} : memref<32x128xf32, #tpu.memory_space<vmem>>, vector<16xf32>,
      %get3A_37 = arith.constant 2 : i32
      %get3A_38 = arith.index_cast %get3A_37 : i32 to index
      %get3A_39 = arith.constant 0 : index
      %get3A_40 = tpu.vector_load %arg12[%get3A_38, %get3A_39] {strides = array<i32>} : memref<3x128xf32, #tpu.memory_space<vmem>>, vector<16xf32>,
      %add3A_41 = arith.addf %get3A_36, %get3A_40 : vector<16xf32>
      %swap3A = arith.index_cast %scan3A_34 : i32 to index
      %swap3A_42 = arith.constant 0 : index
      %swap3A_43 = tpu.vector_load %arg11[%swap3A, %swap3A_42] {strides = array<i32>} : memref<32x128xf32, #tpu.memory_space<vmem>>, vector<16xf32>,
      tpu.vector_store %arg11[%swap3A, %swap3A_42], %add3A_41 {strides = array<i32>} : memref<32x128xf32, #tpu.memory_space<vmem>>, vector<16xf32>,
      %get3A_44 = arith.index_cast %scan3A_34 : i32 to index
      %get3A_45 = arith.constant 16 : index
      %get3A_46 = tpu.vector_load %arg10[%get3A_44, %get3A_45] {strides = array<i32>} : memref<32x128xf32, #tpu.memory_space<vmem>>, vector<16xf32>,
      %get3A_47 = arith.constant 2 : i32
      %get3A_48 = arith.index_cast %get3A_47 : i32 to index
      %get3A_49 = arith.constant 16 : index
      %get3A_50 = tpu.vector_load %arg12[%get3A_48, %get3A_49] {strides = array<i32>} : memref<3x128xf32, #tpu.memory_space<vmem>>, vector<16xf32>,
      %add3A_51 = arith.addf %get3A_46, %get3A_50 : vector<16xf32>
      %swap3A_52 = arith.index_cast %scan3A_34 : i32 to index
      %swap3A_53 = arith.constant 16 : index
      %swap3A_54 = tpu.vector_load %arg11[%swap3A_52, %swap3A_53] {strides = array<i32>} : memref<32x128xf32, #tpu.memory_space<vmem>>, vector<16xf32>,
      tpu.vector_store %arg11[%swap3A_52, %swap3A_53], %add3A_51 {strides = array<i32>} : memref<32x128xf32, #tpu.memory_space<vmem>>, vector<16xf32>,
      %get3A_55 = arith.index_cast %scan3A_34 : i32 to index
      %get3A_56 = arith.constant 32 : index
      %get3A_57 = tpu.vector_load %arg10[%get3A_55, %get3A_56] {strides = array<i32>} : memref<32x128xf32, #tpu.memory_space<vmem>>, vector<16xf32>,
      %get3A_58 = arith.constant 2 : i32
      %get3A_59 = arith.index_cast %get3A_58 : i32 to index
      %get3A_60 = arith.constant 32 : index
      %get3A_61 = tpu.vector_load %arg12[%get3A_59, %get3A_60] {strides = array<i32>} : memref<3x128xf32, #tpu.memory_space<vmem>>, vector<16xf32>,
      %add3A_62 = arith.addf %get3A_57, %get3A_61 : vector<16xf32>
      %swap3A_63 = arith.index_cast %scan3A_34 : i32 to index
      %swap3A_64 = arith.constant 32 : index
      %swap3A_65 = tpu.vector_load %arg11[%swap3A_63, %swap3A_64] {strides = array<i32>} : memref<32x128xf32, #tpu.memory_space<vmem>>, vector<16xf32>,
      tpu.vector_store %arg11[%swap3A_63, %swap3A_64], %add3A_62 {strides = array<i32>} : memref<32x128xf32, #tpu.memory_space<vmem>>, vector<16xf32>,
      %get3A_66 = arith.index_cast %scan3A_34 : i32 to index
      %get3A_67 = arith.constant 48 : index
      %get3A_68 = tpu.vector_load %arg10[%get3A_66, %get3A_67] {strides = array<i32>} : memref<32x128xf32, #tpu.memory_space<vmem>>, vector<16xf32>,
      %get3A_69 = arith.constant 2 : i32
      %get3A_70 = arith.index_cast %get3A_69 : i32 to index
      %get3A_71 = arith.constant 48 : index
      %get3A_72 = tpu.vector_load %arg12[%get3A_70, %get3A_71] {strides = array<i32>} : memref<3x128xf32, #tpu.memory_space<vmem>>, vector<16xf32>,
      %add3A_73 = arith.addf %get3A_68, %get3A_72 : vector<16xf32>
      %swap3A_74 = arith.index_cast %scan3A_34 : i32 to index
      %swap3A_75 = arith.constant 48 : index
      %swap3A_76 = tpu.vector_load %arg11[%swap3A_74, %swap3A_75] {strides = array<i32>} : memref<32x128xf32, #tpu.memory_space<vmem>>, vector<16xf32>,
      tpu.vector_store %arg11[%swap3A_74, %swap3A_75], %add3A_73 {strides = array<i32>} : memref<32x128xf32, #tpu.memory_space<vmem>>, vector<16xf32>,
      %get3A_77 = arith.index_cast %scan3A_34 : i32 to index
      %get3A_78 = arith.constant 64 : index
      %get3A_79 = tpu.vector_load %arg10[%get3A_77, %get3A_78] {strides = array<i32>} : memref<32x128xf32, #tpu.memory_space<vmem>>, vector<16xf32>,
      %get3A_80 = arith.constant 2 : i32
      %get3A_81 = arith.index_cast %get3A_80 : i32 to index
      %get3A_82 = arith.constant 64 : index
      %get3A_83 = tpu.vector_load %arg12[%get3A_81, %get3A_82] {strides = array<i32>} : memref<3x128xf32, #tpu.memory_space<vmem>>, vector<16xf32>,
      %add3A_84 = arith.addf %get3A_79, %get3A_83 : vector<16xf32>
      %swap3A_85 = arith.index_cast %scan3A_34 : i32 to index
      %swap3A_86 = arith.constant 64 : index
      %swap3A_87 = tpu.vector_load %arg11[%swap3A_85, %swap3A_86] {strides = array<i32>} : memref<32x128xf32, #tpu.memory_space<vmem>>, vector<16xf32>,
      tpu.vector_store %arg11[%swap3A_85, %swap3A_86], %add3A_84 {strides = array<i32>} : memref<32x128xf32, #tpu.memory_space<vmem>>, vector<16xf32>,
      %get3A_88 = arith.index_cast %scan3A_34 : i32 to index
      %get3A_89 = arith.constant 80 : index
      %get3A_90 = tpu.vector_load %arg10[%get3A_88, %get3A_89] {strides = array<i32>} : memref<32x128xf32, #tpu.memory_space<vmem>>, vector<16xf32>,
      %get3A_91 = arith.constant 2 : i32
      %get3A_92 = arith.index_cast %get3A_91 : i32 to index
      %get3A_93 = arith.constant 80 : index
      %get3A_94 = tpu.vector_load %arg12[%get3A_92, %get3A_93] {strides = array<i32>} : memref<3x128xf32, #tpu.memory_space<vmem>>, vector<16xf32>,
      %add3A_95 = arith.addf %get3A_90, %get3A_94 : vector<16xf32>
      %swap3A_96 = arith.index_cast %scan3A_34 : i32 to index
      %swap3A_97 = arith.constant 80 : index
      %swap3A_98 = tpu.vector_load %arg11[%swap3A_96, %swap3A_97] {strides = array<i32>} : memref<32x128xf32, #tpu.memory_space<vmem>>, vector<16xf32>,
      tpu.vector_store %arg11[%swap3A_96, %swap3A_97], %add3A_95 {strides = array<i32>} : memref<32x128xf32, #tpu.memory_space<vmem>>, vector<16xf32>,
      %get3A_99 = arith.index_cast %scan3A_34 : i32 to index
      %get3A_100 = arith.constant 96 : index
      %get3A_101 = tpu.vector_load %arg10[%get3A_99, %get3A_100] {strides = array<i32>} : memref<32x128xf32, #tpu.memory_space<vmem>>, vector<16xf32>,
      %get3A_102 = arith.constant 2 : i32
      %get3A_103 = arith.index_cast %get3A_102 : i32 to index
      %get3A_104 = arith.constant 96 : index
      %get3A_105 = tpu.vector_load %arg12[%get3A_103, %get3A_104] {strides = array<i32>} : memref<3x128xf32, #tpu.memory_space<vmem>>, vector<16xf32>,
      %add3A_106 = arith.addf %get3A_101, %get3A_105 : vector<16xf32>
      %swap3A_107 = arith.index_cast %scan3A_34 : i32 to index
      %swap3A_108 = arith.constant 96 : index
      %swap3A_109 = tpu.vector_load %arg11[%swap3A_107, %swap3A_108] {strides = array<i32>} : memref<32x128xf32, #tpu.memory_space<vmem>>, vector<16xf32>,
      tpu.vector_store %arg11[%swap3A_107, %swap3A_108], %add3A_106 {strides = array<i32>} : memref<32x128xf32, #tpu.memory_space<vmem>>, vector<16xf32>,
      %get3A_110 = arith.index_cast %scan3A_34 : i32 to index
      %get3A_111 = arith.constant 112 : index
      %get3A_112 = tpu.vector_load %arg10[%get3A_110, %get3A_111] {strides = array<i32>} : memref<32x128xf32, #tpu.memory_space<vmem>>, vector<16xf32>,
      %get3A_113 = arith.constant 2 : i32
      %get3A_114 = arith.index_cast %get3A_113 : i32 to index
      %get3A_115 = arith.constant 112 : index
      %get3A_116 = tpu.vector_load %arg12[%get3A_114, %get3A_115] {strides = array<i32>} : memref<3x128xf32, #tpu.memory_space<vmem>>, vector<16xf32>,
      %add3A_117 = arith.addf %get3A_112, %get3A_116 : vector<16xf32>
      %swap3A_118 = arith.index_cast %scan3A_34 : i32 to index
      %swap3A_119 = arith.constant 112 : index
      %swap3A_120 = tpu.vector_load %arg11[%swap3A_118, %swap3A_119] {strides = array<i32>} : memref<32x128xf32, #tpu.memory_space<vmem>>, vector<16xf32>,
      tpu.vector_store %arg11[%swap3A_118, %swap3A_119], %add3A_117 {strides = array<i32>} : memref<32x128xf32, #tpu.memory_space<vmem>>, vector<16xf32>,
    }
    %scan3A_25 = arith.constant 32 : i32
    %add3A_26 = arith.constant 1024 : i32
    %add3A_27 = arith.addi %add3A_26, %mul3A_4 : i32
    "tpu.region"() ({
      %run_scoped3A = tpu.sem_alloc : memref<!tpu.dma_semaphore, #tpu.memory_space<semaphore_mem>>
      %dma_start3A = arith.constant 0 : i32
      %dma_start3A_34 = tpu.memref_slice %arg9[%add3A_27, %dma_start3A] : memref<1536x128xf32, #tpu.memory_space<vmem_shared>> -> memref<32x128xf32, #tpu.memory_space<vmem_shared>>
      %dma_start3A_35 = arith.constant 0 : i32
      %dma_start3A_36 = tpu.memref_slice %arg9[%add3A_27, %dma_start3A_35] : memref<1536x128xf32, #tpu.memory_space<vmem_shared>> -> memref<32x128xf32, #tpu.memory_space<vmem_shared>>
      tpu.enqueue_dma source(%arg11 : memref<32x128xf32, #tpu.memory_space<vmem>>) target(%dma_start3A_36 : memref<32x128xf32, #tpu.memory_space<vmem_shared>>) target_semaphore(%run_scoped3A : memref<!tpu.dma_semaphore, #tpu.memory_space<semaphore_mem>>)
      %dma_wait3A = arith.constant 0 : i32
      %dma_wait3A_37 = tpu.memref_slice %arg9[%add3A_27, %dma_wait3A] : memref<1536x128xf32, #tpu.memory_space<vmem_shared>> -> memref<32x128xf32, #tpu.memory_space<vmem_shared>>
      %dma_wait3A_38 = arith.constant 0 : i32
      %dma_wait3A_39 = tpu.memref_slice %arg9[%add3A_27, %dma_wait3A_38] : memref<1536x128xf32, #tpu.memory_space<vmem_shared>> -> memref<32x128xf32, #tpu.memory_space<vmem_shared>>
      tpu.wait_dma2 semaphore(%run_scoped3A : memref<!tpu.dma_semaphore, #tpu.memory_space<semaphore_mem>>) src(%arg11 : memref<32x128xf32, #tpu.memory_space<vmem>>) dst(%dma_wait3A_39 : memref<32x128xf32, #tpu.memory_space<vmem_shared>>)
      tpu.yield
    }) : () -> ()
    %barrier3A = arith.constant 0 : index
    tpu.barrier barrier_id(%barrier3A)
    %scan3A_28 = arith.constant 0 : i32
    %scan3A_29 = arith.constant 0 : i32
    %scan3A_30 = arith.constant 16 : i32
    %scan3A_31 = arith.addi %scan3A_29, %scan3A_30 : i32
    %scan3A_32 = arith.constant 1 : i32
    scf.for %scan3A_34 = %scan3A_29 to %scan3A_31 step %scan3A_32  : i32 {
      %mul3A_35 = arith.constant 400 : i32
      %mul3A_36 = arith.muli %scan3A_34, %mul3A_35 : i32
      %add3A_37 = arith.addi %mul3A_2, %mul3A_36 : i32
      %dma_start3A = tpu.memref_slice %arg2[%add3A_37] : memref<204800xi32, #tpu.memory_space<hbm>> -> memref<400xi32, #tpu.memory_space<hbm>>
      %dma_start3A_38 = tpu.memref_slice %arg2[%add3A_37] : memref<204800xi32, #tpu.memory_space<hbm>> -> memref<400xi32, #tpu.memory_space<hbm>>
      tpu.enqueue_dma source(%dma_start3A_38 : memref<400xi32, #tpu.memory_space<hbm>>) target(%arg15 : memref<400xi32, #tpu.memory_space<vmem>>) target_semaphore(%arg19 : memref<!tpu.dma_semaphore, #tpu.memory_space<semaphore_mem>>)
      %dma_start3A_39 = tpu.memref_slice %arg3[%add3A_37] : memref<204800xi32, #tpu.memory_space<hbm>> -> memref<400xi32, #tpu.memory_space<hbm>>
      %dma_start3A_40 = tpu.memref_slice %arg3[%add3A_37] : memref<204800xi32, #tpu.memory_space<hbm>> -> memref<400xi32, #tpu.memory_space<hbm>>
      tpu.enqueue_dma source(%dma_start3A_40 : memref<400xi32, #tpu.memory_space<hbm>>) target(%arg16 : memref<400xi32, #tpu.memory_space<vmem>>) target_semaphore(%arg19 : memref<!tpu.dma_semaphore, #tpu.memory_space<semaphore_mem>>)
      %dma_start3A_41 = tpu.memref_slice %arg4[%add3A_37] : memref<204800xi32, #tpu.memory_space<hbm>> -> memref<400xi32, #tpu.memory_space<hbm>>
      %dma_start3A_42 = tpu.memref_slice %arg4[%add3A_37] : memref<204800xi32, #tpu.memory_space<hbm>> -> memref<400xi32, #tpu.memory_space<hbm>>
      tpu.enqueue_dma source(%dma_start3A_42 : memref<400xi32, #tpu.memory_space<hbm>>) target(%arg17 : memref<400xi32, #tpu.memory_space<vmem>>) target_semaphore(%arg19 : memref<!tpu.dma_semaphore, #tpu.memory_space<semaphore_mem>>)
      %dma_wait3A = tpu.memref_slice %arg2[%add3A_37] : memref<204800xi32, #tpu.memory_space<hbm>> -> memref<400xi32, #tpu.memory_space<hbm>>
      %dma_wait3A_43 = tpu.memref_slice %arg2[%add3A_37] : memref<204800xi32, #tpu.memory_space<hbm>> -> memref<400xi32, #tpu.memory_space<hbm>>
      tpu.wait_dma2 semaphore(%arg19 : memref<!tpu.dma_semaphore, #tpu.memory_space<semaphore_mem>>) src(%dma_wait3A_43 : memref<400xi32, #tpu.memory_space<hbm>>) dst(%arg15 : memref<400xi32, #tpu.memory_space<vmem>>)
      %dma_wait3A_44 = tpu.memref_slice %arg3[%add3A_37] : memref<204800xi32, #tpu.memory_space<hbm>> -> memref<400xi32, #tpu.memory_space<hbm>>
      %dma_wait3A_45 = tpu.memref_slice %arg3[%add3A_37] : memref<204800xi32, #tpu.memory_space<hbm>> -> memref<400xi32, #tpu.memory_space<hbm>>
      tpu.wait_dma2 semaphore(%arg19 : memref<!tpu.dma_semaphore, #tpu.memory_space<semaphore_mem>>) src(%dma_wait3A_45 : memref<400xi32, #tpu.memory_space<hbm>>) dst(%arg16 : memref<400xi32, #tpu.memory_space<vmem>>)
      %dma_wait3A_46 = tpu.memref_slice %arg4[%add3A_37] : memref<204800xi32, #tpu.memory_space<hbm>> -> memref<400xi32, #tpu.memory_space<hbm>>
      %dma_wait3A_47 = tpu.memref_slice %arg4[%add3A_37] : memref<204800xi32, #tpu.memory_space<hbm>> -> memref<400xi32, #tpu.memory_space<hbm>>
      tpu.wait_dma2 semaphore(%arg19 : memref<!tpu.dma_semaphore, #tpu.memory_space<semaphore_mem>>) src(%dma_wait3A_47 : memref<400xi32, #tpu.memory_space<hbm>>) dst(%arg17 : memref<400xi32, #tpu.memory_space<vmem>>)
      %scan3A_48 = arith.constant 0 : i32
      %scan3A_49 = arith.constant 0 : i32
      %scan3A_50 = arith.constant 24 : i32
      %scan3A_51 = arith.addi %scan3A_49, %scan3A_50 : i32
      %scan3A_52 = arith.constant 4 : i32
      scf.for %scan3A_199 = %scan3A_49 to %scan3A_51 step %scan3A_52  : i32 {
        %mul3A_200 = arith.constant 16 : i32
        %mul3A_201 = arith.muli %scan3A_199, %mul3A_200 : i32
        %get3A_202 = arith.index_cast %mul3A_201 : i32 to index
        %get3A_203 = tpu.vector_load %arg17[%get3A_202] {strides = array<i32>} : memref<400xi32, #tpu.memory_space<vmem>>, vector<16xi32>,
        %shift_left3A_204 = arith.constant 9 : i32
        %shift_left3A_205 = vector.broadcast %shift_left3A_204 : i32 to vector<16xi32>
        %shift_left3A_206 = arith.shli %get3A_203, %shift_left3A_205 : vector<16xi32>
        %get3A_207 = arith.index_cast %mul3A_201 : i32 to index
        %get3A_208 = tpu.vector_load %arg16[%get3A_207] {strides = array<i32>} : memref<400xi32, #tpu.memory_space<vmem>>, vector<16xi32>,
        %add3A_209 = arith.addi %shift_left3A_206, %get3A_208 : vector<16xi32>
        %swap3A_210 = arith.index_cast %mul3A_201 : i32 to index
        %swap3A_211 = tpu.vector_load %arg18[%swap3A_210] {strides = array<i32>} : memref<400xi32, #tpu.memory_space<vmem>>, vector<16xi32>,
        tpu.vector_store %arg18[%swap3A_210], %add3A_209 {strides = array<i32>} : memref<400xi32, #tpu.memory_space<vmem>>, vector<16xi32>,
        %scan3A_212 = arith.constant 1 : i32
        %scan3A_213 = arith.addi %scan3A_199, %scan3A_212 : i32
        %mul3A_214 = arith.constant 16 : i32
        %mul3A_215 = arith.muli %scan3A_213, %mul3A_214 : i32
        %get3A_216 = arith.index_cast %mul3A_215 : i32 to index
        %get3A_217 = tpu.vector_load %arg17[%get3A_216] {strides = array<i32>} : memref<400xi32, #tpu.memory_space<vmem>>, vector<16xi32>,
        %shift_left3A_218 = arith.constant 9 : i32
        %shift_left3A_219 = vector.broadcast %shift_left3A_218 : i32 to vector<16xi32>
        %shift_left3A_220 = arith.shli %get3A_217, %shift_left3A_219 : vector<16xi32>
        %get3A_221 = arith.index_cast %mul3A_215 : i32 to index
        %get3A_222 = tpu.vector_load %arg16[%get3A_221] {strides = array<i32>} : memref<400xi32, #tpu.memory_space<vmem>>, vector<16xi32>,
        %add3A_223 = arith.addi %shift_left3A_220, %get3A_222 : vector<16xi32>
        %swap3A_224 = arith.index_cast %mul3A_215 : i32 to index
        %swap3A_225 = tpu.vector_load %arg18[%swap3A_224] {strides = array<i32>} : memref<400xi32, #tpu.memory_space<vmem>>, vector<16xi32>,
        tpu.vector_store %arg18[%swap3A_224], %add3A_223 {strides = array<i32>} : memref<400xi32, #tpu.memory_space<vmem>>, vector<16xi32>,
        %scan3A_226 = arith.constant 2 : i32
        %scan3A_227 = arith.addi %scan3A_199, %scan3A_226 : i32
        %mul3A_228 = arith.constant 16 : i32
        %mul3A_229 = arith.muli %scan3A_227, %mul3A_228 : i32
        %get3A_230 = arith.index_cast %mul3A_229 : i32 to index
        %get3A_231 = tpu.vector_load %arg17[%get3A_230] {strides = array<i32>} : memref<400xi32, #tpu.memory_space<vmem>>, vector<16xi32>,
        %shift_left3A_232 = arith.constant 9 : i32
        %shift_left3A_233 = vector.broadcast %shift_left3A_232 : i32 to vector<16xi32>
        %shift_left3A_234 = arith.shli %get3A_231, %shift_left3A_233 : vector<16xi32>
        %get3A_235 = arith.index_cast %mul3A_229 : i32 to index
        %get3A_236 = tpu.vector_load %arg16[%get3A_235] {strides = array<i32>} : memref<400xi32, #tpu.memory_space<vmem>>, vector<16xi32>,
        %add3A_237 = arith.addi %shift_left3A_234, %get3A_236 : vector<16xi32>
        %swap3A_238 = arith.index_cast %mul3A_229 : i32 to index
        %swap3A_239 = tpu.vector_load %arg18[%swap3A_238] {strides = array<i32>} : memref<400xi32, #tpu.memory_space<vmem>>, vector<16xi32>,
        tpu.vector_store %arg18[%swap3A_238], %add3A_237 {strides = array<i32>} : memref<400xi32, #tpu.memory_space<vmem>>, vector<16xi32>,
        %scan3A_240 = arith.constant 3 : i32
        %scan3A_241 = arith.addi %scan3A_199, %scan3A_240 : i32
        %mul3A_242 = arith.constant 16 : i32
        %mul3A_243 = arith.muli %scan3A_241, %mul3A_242 : i32
        %get3A_244 = arith.index_cast %mul3A_243 : i32 to index
        %get3A_245 = tpu.vector_load %arg17[%get3A_244] {strides = array<i32>} : memref<400xi32, #tpu.memory_space<vmem>>, vector<16xi32>,
        %shift_left3A_246 = arith.constant 9 : i32
        %shift_left3A_247 = vector.broadcast %shift_left3A_246 : i32 to vector<16xi32>
        %shift_left3A_248 = arith.shli %get3A_245, %shift_left3A_247 : vector<16xi32>
        %get3A_249 = arith.index_cast %mul3A_243 : i32 to index
        %get3A_250 = tpu.vector_load %arg16[%get3A_249] {strides = array<i32>} : memref<400xi32, #tpu.memory_space<vmem>>, vector<16xi32>,
        %add3A_251 = arith.addi %shift_left3A_248, %get3A_250 : vector<16xi32>
        %swap3A_252 = arith.index_cast %mul3A_243 : i32 to index
        %swap3A_253 = tpu.vector_load %arg18[%swap3A_252] {strides = array<i32>} : memref<400xi32, #tpu.memory_space<vmem>>, vector<16xi32>,
        tpu.vector_store %arg18[%swap3A_252], %add3A_251 {strides = array<i32>} : memref<400xi32, #tpu.memory_space<vmem>>, vector<16xi32>,
      }
      %scan3A_53 = arith.constant 24 : i32
      %scan3A_54 = arith.addi %scan3A_49, %scan3A_53 : i32
      %mul3A_55 = arith.constant 16 : i32
      %mul3A_56 = arith.muli %scan3A_54, %mul3A_55 : i32
      %get3A = arith.index_cast %mul3A_56 : i32 to index
      %get3A_57 = tpu.vector_load %arg17[%get3A] {strides = array<i32>} : memref<400xi32, #tpu.memory_space<vmem>>, vector<16xi32>,
      %shift_left3A = arith.constant 9 : i32
      %shift_left3A_58 = vector.broadcast %shift_left3A : i32 to vector<16xi32>
      %shift_left3A_59 = arith.shli %get3A_57, %shift_left3A_58 : vector<16xi32>
      %get3A_60 = arith.index_cast %mul3A_56 : i32 to index
      %get3A_61 = tpu.vector_load %arg16[%get3A_60] {strides = array<i32>} : memref<400xi32, #tpu.memory_space<vmem>>, vector<16xi32>,
      %add3A_62 = arith.addi %shift_left3A_59, %get3A_61 : vector<16xi32>
      %swap3A = arith.index_cast %mul3A_56 : i32 to index
      %swap3A_63 = tpu.vector_load %arg18[%swap3A] {strides = array<i32>} : memref<400xi32, #tpu.memory_space<vmem>>, vector<16xi32>,
      tpu.vector_store %arg18[%swap3A], %add3A_62 {strides = array<i32>} : memref<400xi32, #tpu.memory_space<vmem>>, vector<16xi32>,
      %scan3A_64 = arith.constant 25 : i32
      %dma_start3A_65 = arith.constant 0 : i32
      %dma_start3A_66 = arith.constant 0 : i32
      %dma_start3A_67 = tpu.memref_slice %arg13[%dma_start3A_65, %dma_start3A_66] : memref<400x128xf32, #tpu.memory_space<vmem>> -> memref<128x128xf32, #tpu.memory_space<vmem>>
      %dma_start3A_68 = arith.constant 0 : i32
      %dma_start3A_69 = tpu.memref_slice %arg15[%dma_start3A_68] : memref<400xi32, #tpu.memory_space<vmem>> -> memref<128xi32, #tpu.memory_space<vmem>>
      %dma_start3A_70 = arith.constant 0 : i32
      %dma_start3A_71 = arith.constant 0 : i32
      %dma_start3A_72 = tpu.memref_slice %arg5[%dma_start3A_70, %dma_start3A_71] : memref<1000000x128xf32, #tpu.memory_space<hbm>> -> memref<1000000x128xf32, #tpu.memory_space<hbm>>
      tpu.enqueue_indirect_dma source(%dma_start3A_72 : memref<1000000x128xf32, #tpu.memory_space<hbm>>) target(%dma_start3A_67 : memref<128x128xf32, #tpu.memory_space<vmem>>) offsets(%dma_start3A_69 : memref<128xi32, #tpu.memory_space<vmem>>) semaphore(%arg20 : memref<!tpu.dma_semaphore, #tpu.memory_space<semaphore_mem>>)
      %dma_start3A_73 = arith.constant 0 : i32
      %dma_start3A_74 = arith.constant 0 : i32
      %dma_start3A_75 = tpu.memref_slice %arg14[%dma_start3A_73, %dma_start3A_74] : memref<400x128xf32, #tpu.memory_space<vmem>> -> memref<128x128xf32, #tpu.memory_space<vmem>>
      %dma_start3A_76 = arith.constant 0 : i32
      %dma_start3A_77 = tpu.memref_slice %arg18[%dma_start3A_76] : memref<400xi32, #tpu.memory_space<vmem>> -> memref<128xi32, #tpu.memory_space<vmem>>
      %dma_start3A_78 = arith.constant 0 : i32
      %dma_start3A_79 = arith.constant 0 : i32
      %dma_start3A_80 = tpu.memref_slice %arg9[%dma_start3A_78, %dma_start3A_79] : memref<1536x128xf32, #tpu.memory_space<vmem_shared>> -> memref<1536x128xf32, #tpu.memory_space<vmem_shared>>
      tpu.enqueue_indirect_dma source(%dma_start3A_80 : memref<1536x128xf32, #tpu.memory_space<vmem_shared>>) target(%dma_start3A_75 : memref<128x128xf32, #tpu.memory_space<vmem>>) offsets(%dma_start3A_77 : memref<128xi32, #tpu.memory_space<vmem>>) semaphore(%arg21 : memref<!tpu.dma_semaphore, #tpu.memory_space<semaphore_mem>>)
      %dma_start3A_81 = arith.constant 128 : i32
      %dma_start3A_82 = arith.constant 0 : i32
      %dma_start3A_83 = tpu.memref_slice %arg13[%dma_start3A_81, %dma_start3A_82] : memref<400x128xf32, #tpu.memory_space<vmem>> -> memref<128x128xf32, #tpu.memory_space<vmem>>
      %dma_start3A_84 = arith.constant 128 : i32
      %dma_start3A_85 = tpu.memref_slice %arg15[%dma_start3A_84] : memref<400xi32, #tpu.memory_space<vmem>> -> memref<128xi32, #tpu.memory_space<vmem>>
      %dma_start3A_86 = arith.constant 0 : i32
      %dma_start3A_87 = arith.constant 0 : i32
      %dma_start3A_88 = tpu.memref_slice %arg5[%dma_start3A_86, %dma_start3A_87] : memref<1000000x128xf32, #tpu.memory_space<hbm>> -> memref<1000000x128xf32, #tpu.memory_space<hbm>>
      tpu.enqueue_indirect_dma source(%dma_start3A_88 : memref<1000000x128xf32, #tpu.memory_space<hbm>>) target(%dma_start3A_83 : memref<128x128xf32, #tpu.memory_space<vmem>>) offsets(%dma_start3A_85 : memref<128xi32, #tpu.memory_space<vmem>>) semaphore(%arg20 : memref<!tpu.dma_semaphore, #tpu.memory_space<semaphore_mem>>)
      %dma_start3A_89 = arith.constant 128 : i32
      %dma_start3A_90 = arith.constant 0 : i32
      %dma_start3A_91 = tpu.memref_slice %arg14[%dma_start3A_89, %dma_start3A_90] : memref<400x128xf32, #tpu.memory_space<vmem>> -> memref<128x128xf32, #tpu.memory_space<vmem>>
      %dma_start3A_92 = arith.constant 128 : i32
      %dma_start3A_93 = tpu.memref_slice %arg18[%dma_start3A_92] : memref<400xi32, #tpu.memory_space<vmem>> -> memref<128xi32, #tpu.memory_space<vmem>>
      %dma_start3A_94 = arith.constant 0 : i32
      %dma_start3A_95 = arith.constant 0 : i32
      %dma_start3A_96 = tpu.memref_slice %arg9[%dma_start3A_94, %dma_start3A_95] : memref<1536x128xf32, #tpu.memory_space<vmem_shared>> -> memref<1536x128xf32, #tpu.memory_space<vmem_shared>>
      tpu.enqueue_indirect_dma source(%dma_start3A_96 : memref<1536x128xf32, #tpu.memory_space<vmem_shared>>) target(%dma_start3A_91 : memref<128x128xf32, #tpu.memory_space<vmem>>) offsets(%dma_start3A_93 : memref<128xi32, #tpu.memory_space<vmem>>) semaphore(%arg21 : memref<!tpu.dma_semaphore, #tpu.memory_space<semaphore_mem>>)
      %dma_start3A_97 = arith.constant 256 : i32
      %dma_start3A_98 = arith.constant 0 : i32
      %dma_start3A_99 = tpu.memref_slice %arg13[%dma_start3A_97, %dma_start3A_98] : memref<400x128xf32, #tpu.memory_space<vmem>> -> memref<128x128xf32, #tpu.memory_space<vmem>>
      %dma_start3A_100 = arith.constant 256 : i32
      %dma_start3A_101 = tpu.memref_slice %arg15[%dma_start3A_100] : memref<400xi32, #tpu.memory_space<vmem>> -> memref<128xi32, #tpu.memory_space<vmem>>
      %dma_start3A_102 = arith.constant 0 : i32
      %dma_start3A_103 = arith.constant 0 : i32
      %dma_start3A_104 = tpu.memref_slice %arg5[%dma_start3A_102, %dma_start3A_103] : memref<1000000x128xf32, #tpu.memory_space<hbm>> -> memref<1000000x128xf32, #tpu.memory_space<hbm>>
      tpu.enqueue_indirect_dma source(%dma_start3A_104 : memref<1000000x128xf32, #tpu.memory_space<hbm>>) target(%dma_start3A_99 : memref<128x128xf32, #tpu.memory_space<vmem>>) offsets(%dma_start3A_101 : memref<128xi32, #tpu.memory_space<vmem>>) semaphore(%arg20 : memref<!tpu.dma_semaphore, #tpu.memory_space<semaphore_mem>>)
      %dma_start3A_105 = arith.constant 256 : i32
      %dma_start3A_106 = arith.constant 0 : i32
      %dma_start3A_107 = tpu.memref_slice %arg14[%dma_start3A_105, %dma_start3A_106] : memref<400x128xf32, #tpu.memory_space<vmem>> -> memref<128x128xf32, #tpu.memory_space<vmem>>
      %dma_start3A_108 = arith.constant 256 : i32
      %dma_start3A_109 = tpu.memref_slice %arg18[%dma_start3A_108] : memref<400xi32, #tpu.memory_space<vmem>> -> memref<128xi32, #tpu.memory_space<vmem>>
      %dma_start3A_110 = arith.constant 0 : i32
      %dma_start3A_111 = arith.constant 0 : i32
      %dma_start3A_112 = tpu.memref_slice %arg9[%dma_start3A_110, %dma_start3A_111] : memref<1536x128xf32, #tpu.memory_space<vmem_shared>> -> memref<1536x128xf32, #tpu.memory_space<vmem_shared>>
      tpu.enqueue_indirect_dma source(%dma_start3A_112 : memref<1536x128xf32, #tpu.memory_space<vmem_shared>>) target(%dma_start3A_107 : memref<128x128xf32, #tpu.memory_space<vmem>>) offsets(%dma_start3A_109 : memref<128xi32, #tpu.memory_space<vmem>>) semaphore(%arg21 : memref<!tpu.dma_semaphore, #tpu.memory_space<semaphore_mem>>)
      %dma_start3A_113 = arith.constant 384 : i32
      %dma_start3A_114 = arith.constant 0 : i32
      %dma_start3A_115 = tpu.memref_slice %arg13[%dma_start3A_113, %dma_start3A_114] : memref<400x128xf32, #tpu.memory_space<vmem>> -> memref<16x128xf32, #tpu.memory_space<vmem>>
      %dma_start3A_116 = arith.constant 384 : i32
      %dma_start3A_117 = tpu.memref_slice %arg15[%dma_start3A_116] : memref<400xi32, #tpu.memory_space<vmem>> -> memref<16xi32, #tpu.memory_space<vmem>>
      %dma_start3A_118 = arith.constant 0 : i32
      %dma_start3A_119 = arith.constant 0 : i32
      %dma_start3A_120 = tpu.memref_slice %arg5[%dma_start3A_118, %dma_start3A_119] : memref<1000000x128xf32, #tpu.memory_space<hbm>> -> memref<1000000x128xf32, #tpu.memory_space<hbm>>
      tpu.enqueue_indirect_dma source(%dma_start3A_120 : memref<1000000x128xf32, #tpu.memory_space<hbm>>) target(%dma_start3A_115 : memref<16x128xf32, #tpu.memory_space<vmem>>) offsets(%dma_start3A_117 : memref<16xi32, #tpu.memory_space<vmem>>) semaphore(%arg20 : memref<!tpu.dma_semaphore, #tpu.memory_space<semaphore_mem>>)
      %dma_start3A_121 = arith.constant 384 : i32
      %dma_start3A_122 = arith.constant 0 : i32
      %dma_start3A_123 = tpu.memref_slice %arg14[%dma_start3A_121, %dma_start3A_122] : memref<400x128xf32, #tpu.memory_space<vmem>> -> memref<16x128xf32, #tpu.memory_space<vmem>>
      %dma_start3A_124 = arith.constant 384 : i32
      %dma_start3A_125 = tpu.memref_slice %arg18[%dma_start3A_124] : memref<400xi32, #tpu.memory_space<vmem>> -> memref<16xi32, #tpu.memory_space<vmem>>
      %dma_start3A_126 = arith.constant 0 : i32
      %dma_start3A_127 = arith.constant 0 : i32
      %dma_start3A_128 = tpu.memref_slice %arg9[%dma_start3A_126, %dma_start3A_127] : memref<1536x128xf32, #tpu.memory_space<vmem_shared>> -> memref<1536x128xf32, #tpu.memory_space<vmem_shared>>
      tpu.enqueue_indirect_dma source(%dma_start3A_128 : memref<1536x128xf32, #tpu.memory_space<vmem_shared>>) target(%dma_start3A_123 : memref<16x128xf32, #tpu.memory_space<vmem>>) offsets(%dma_start3A_125 : memref<16xi32, #tpu.memory_space<vmem>>) semaphore(%arg21 : memref<!tpu.dma_semaphore, #tpu.memory_space<semaphore_mem>>)
      %dma_wait3A_129 = arith.constant 0 : i32
      %dma_wait3A_130 = arith.constant 0 : i32
      %dma_wait3A_131 = tpu.memref_slice %arg13[%dma_wait3A_129, %dma_wait3A_130] : memref<400x128xf32, #tpu.memory_space<vmem>> -> memref<128x128xf32, #tpu.memory_space<vmem>>
      %dma_wait3A_132 = arith.constant 0 : i32
      %dma_wait3A_133 = tpu.memref_slice %arg15[%dma_wait3A_132] : memref<400xi32, #tpu.memory_space<vmem>> -> memref<128xi32, #tpu.memory_space<vmem>>
      %dma_wait3A_134 = arith.constant 0 : i32
      %dma_wait3A_135 = arith.constant 0 : i32
      %dma_wait3A_136 = tpu.memref_slice %arg5[%dma_wait3A_134, %dma_wait3A_135] : memref<1000000x128xf32, #tpu.memory_space<hbm>> -> memref<1000000x128xf32, #tpu.memory_space<hbm>>
      tpu.wait_indirect_dma semaphore(%arg20 : memref<!tpu.dma_semaphore, #tpu.memory_space<semaphore_mem>>) src(%dma_wait3A_136 : memref<1000000x128xf32, #tpu.memory_space<hbm>>) dst(%dma_wait3A_131 : memref<128x128xf32, #tpu.memory_space<vmem>>)
      %dma_wait3A_137 = arith.constant 0 : i32
      %dma_wait3A_138 = arith.constant 0 : i32
      %dma_wait3A_139 = tpu.memref_slice %arg14[%dma_wait3A_137, %dma_wait3A_138] : memref<400x128xf32, #tpu.memory_space<vmem>> -> memref<128x128xf32, #tpu.memory_space<vmem>>
      %dma_wait3A_140 = arith.constant 0 : i32
      %dma_wait3A_141 = tpu.memref_slice %arg18[%dma_wait3A_140] : memref<400xi32, #tpu.memory_space<vmem>> -> memref<128xi32, #tpu.memory_space<vmem>>
      %dma_wait3A_142 = arith.constant 0 : i32
      %dma_wait3A_143 = arith.constant 0 : i32
      %dma_wait3A_144 = tpu.memref_slice %arg9[%dma_wait3A_142, %dma_wait3A_143] : memref<1536x128xf32, #tpu.memory_space<vmem_shared>> -> memref<1536x128xf32, #tpu.memory_space<vmem_shared>>
      tpu.wait_indirect_dma semaphore(%arg21 : memref<!tpu.dma_semaphore, #tpu.memory_space<semaphore_mem>>) src(%dma_wait3A_144 : memref<1536x128xf32, #tpu.memory_space<vmem_shared>>) dst(%dma_wait3A_139 : memref<128x128xf32, #tpu.memory_space<vmem>>)
      %dma_wait3A_145 = arith.constant 128 : i32
      %dma_wait3A_146 = arith.constant 0 : i32
      %dma_wait3A_147 = tpu.memref_slice %arg13[%dma_wait3A_145, %dma_wait3A_146] : memref<400x128xf32, #tpu.memory_space<vmem>> -> memref<128x128xf32, #tpu.memory_space<vmem>>
      %dma_wait3A_148 = arith.constant 128 : i32
      %dma_wait3A_149 = tpu.memref_slice %arg15[%dma_wait3A_148] : memref<400xi32, #tpu.memory_space<vmem>> -> memref<128xi32, #tpu.memory_space<vmem>>
      %dma_wait3A_150 = arith.constant 0 : i32
      %dma_wait3A_151 = arith.constant 0 : i32
      %dma_wait3A_152 = tpu.memref_slice %arg5[%dma_wait3A_150, %dma_wait3A_151] : memref<1000000x128xf32, #tpu.memory_space<hbm>> -> memref<1000000x128xf32, #tpu.memory_space<hbm>>
      tpu.wait_indirect_dma semaphore(%arg20 : memref<!tpu.dma_semaphore, #tpu.memory_space<semaphore_mem>>) src(%dma_wait3A_152 : memref<1000000x128xf32, #tpu.memory_space<hbm>>) dst(%dma_wait3A_147 : memref<128x128xf32, #tpu.memory_space<vmem>>)
      %dma_wait3A_153 = arith.constant 128 : i32
      %dma_wait3A_154 = arith.constant 0 : i32
      %dma_wait3A_155 = tpu.memref_slice %arg14[%dma_wait3A_153, %dma_wait3A_154] : memref<400x128xf32, #tpu.memory_space<vmem>> -> memref<128x128xf32, #tpu.memory_space<vmem>>
      %dma_wait3A_156 = arith.constant 128 : i32
      %dma_wait3A_157 = tpu.memref_slice %arg18[%dma_wait3A_156] : memref<400xi32, #tpu.memory_space<vmem>> -> memref<128xi32, #tpu.memory_space<vmem>>
      %dma_wait3A_158 = arith.constant 0 : i32
      %dma_wait3A_159 = arith.constant 0 : i32
      %dma_wait3A_160 = tpu.memref_slice %arg9[%dma_wait3A_158, %dma_wait3A_159] : memref<1536x128xf32, #tpu.memory_space<vmem_shared>> -> memref<1536x128xf32, #tpu.memory_space<vmem_shared>>
      tpu.wait_indirect_dma semaphore(%arg21 : memref<!tpu.dma_semaphore, #tpu.memory_space<semaphore_mem>>) src(%dma_wait3A_160 : memref<1536x128xf32, #tpu.memory_space<vmem_shared>>) dst(%dma_wait3A_155 : memref<128x128xf32, #tpu.memory_space<vmem>>)
      %dma_wait3A_161 = arith.constant 256 : i32
      %dma_wait3A_162 = arith.constant 0 : i32
      %dma_wait3A_163 = tpu.memref_slice %arg13[%dma_wait3A_161, %dma_wait3A_162] : memref<400x128xf32, #tpu.memory_space<vmem>> -> memref<128x128xf32, #tpu.memory_space<vmem>>
      %dma_wait3A_164 = arith.constant 256 : i32
      %dma_wait3A_165 = tpu.memref_slice %arg15[%dma_wait3A_164] : memref<400xi32, #tpu.memory_space<vmem>> -> memref<128xi32, #tpu.memory_space<vmem>>
      %dma_wait3A_166 = arith.constant 0 : i32
      %dma_wait3A_167 = arith.constant 0 : i32
      %dma_wait3A_168 = tpu.memref_slice %arg5[%dma_wait3A_166, %dma_wait3A_167] : memref<1000000x128xf32, #tpu.memory_space<hbm>> -> memref<1000000x128xf32, #tpu.memory_space<hbm>>
      tpu.wait_indirect_dma semaphore(%arg20 : memref<!tpu.dma_semaphore, #tpu.memory_space<semaphore_mem>>) src(%dma_wait3A_168 : memref<1000000x128xf32, #tpu.memory_space<hbm>>) dst(%dma_wait3A_163 : memref<128x128xf32, #tpu.memory_space<vmem>>)
      %dma_wait3A_169 = arith.constant 256 : i32
      %dma_wait3A_170 = arith.constant 0 : i32
      %dma_wait3A_171 = tpu.memref_slice %arg14[%dma_wait3A_169, %dma_wait3A_170] : memref<400x128xf32, #tpu.memory_space<vmem>> -> memref<128x128xf32, #tpu.memory_space<vmem>>
      %dma_wait3A_172 = arith.constant 256 : i32
      %dma_wait3A_173 = tpu.memref_slice %arg18[%dma_wait3A_172] : memref<400xi32, #tpu.memory_space<vmem>> -> memref<128xi32, #tpu.memory_space<vmem>>
      %dma_wait3A_174 = arith.constant 0 : i32
      %dma_wait3A_175 = arith.constant 0 : i32
      %dma_wait3A_176 = tpu.memref_slice %arg9[%dma_wait3A_174, %dma_wait3A_175] : memref<1536x128xf32, #tpu.memory_space<vmem_shared>> -> memref<1536x128xf32, #tpu.memory_space<vmem_shared>>
      tpu.wait_indirect_dma semaphore(%arg21 : memref<!tpu.dma_semaphore, #tpu.memory_space<semaphore_mem>>) src(%dma_wait3A_176 : memref<1536x128xf32, #tpu.memory_space<vmem_shared>>) dst(%dma_wait3A_171 : memref<128x128xf32, #tpu.memory_space<vmem>>)
      %dma_wait3A_177 = arith.constant 384 : i32
      %dma_wait3A_178 = arith.constant 0 : i32
      %dma_wait3A_179 = tpu.memref_slice %arg13[%dma_wait3A_177, %dma_wait3A_178] : memref<400x128xf32, #tpu.memory_space<vmem>> -> memref<16x128xf32, #tpu.memory_space<vmem>>
      %dma_wait3A_180 = arith.constant 384 : i32
      %dma_wait3A_181 = tpu.memref_slice %arg15[%dma_wait3A_180] : memref<400xi32, #tpu.memory_space<vmem>> -> memref<16xi32, #tpu.memory_space<vmem>>
      %dma_wait3A_182 = arith.constant 0 : i32
      %dma_wait3A_183 = arith.constant 0 : i32
      %dma_wait3A_184 = tpu.memref_slice %arg5[%dma_wait3A_182, %dma_wait3A_183] : memref<1000000x128xf32, #tpu.memory_space<hbm>> -> memref<1000000x128xf32, #tpu.memory_space<hbm>>
      tpu.wait_indirect_dma semaphore(%arg20 : memref<!tpu.dma_semaphore, #tpu.memory_space<semaphore_mem>>) src(%dma_wait3A_184 : memref<1000000x128xf32, #tpu.memory_space<hbm>>) dst(%dma_wait3A_179 : memref<16x128xf32, #tpu.memory_space<vmem>>)
      %dma_wait3A_185 = arith.constant 384 : i32
      %dma_wait3A_186 = arith.constant 0 : i32
      %dma_wait3A_187 = tpu.memref_slice %arg14[%dma_wait3A_185, %dma_wait3A_186] : memref<400x128xf32, #tpu.memory_space<vmem>> -> memref<16x128xf32, #tpu.memory_space<vmem>>
      %dma_wait3A_188 = arith.constant 384 : i32
      %dma_wait3A_189 = tpu.memref_slice %arg18[%dma_wait3A_188] : memref<400xi32, #tpu.memory_space<vmem>> -> memref<16xi32, #tpu.memory_space<vmem>>
      %dma_wait3A_190 = arith.constant 0 : i32
      %dma_wait3A_191 = arith.constant 0 : i32
      %dma_wait3A_192 = tpu.memref_slice %arg9[%dma_wait3A_190, %dma_wait3A_191] : memref<1536x128xf32, #tpu.memory_space<vmem_shared>> -> memref<1536x128xf32, #tpu.memory_space<vmem_shared>>
      tpu.wait_indirect_dma semaphore(%arg21 : memref<!tpu.dma_semaphore, #tpu.memory_space<semaphore_mem>>) src(%dma_wait3A_192 : memref<1536x128xf32, #tpu.memory_space<vmem_shared>>) dst(%dma_wait3A_187 : memref<16x128xf32, #tpu.memory_space<vmem>>)
      %scan3A_193 = arith.constant 0 : i32
      %scan3A_194 = arith.constant 0 : i32
      %scan3A_195 = arith.constant 400 : i32
      %scan3A_196 = arith.addi %scan3A_194, %scan3A_195 : i32
      %scan3A_197 = arith.constant 2 : i32
      scf.for %scan3A_199 = %scan3A_194 to %scan3A_196 step %scan3A_197  : i32 {
        %get3A_200 = arith.index_cast %scan3A_199 : i32 to index
        %get3A_201 = arith.constant 0 : index
        %get3A_202 = tpu.vector_load %arg14[%get3A_200, %get3A_201] {strides = array<i32>} : memref<400x128xf32, #tpu.memory_space<vmem>>, vector<16xf32>,
        %swap3A_203 = arith.index_cast %scan3A_199 : i32 to index
        %swap3A_204 = arith.constant 0 : index
        %swap3A_205 = tpu.vector_load %arg13[%swap3A_203, %swap3A_204] {strides = array<i32>} : memref<400x128xf32, #tpu.memory_space<vmem>>, vector<16xf32>,
        tpu.vector_store %arg13[%swap3A_203, %swap3A_204], %get3A_202 {add = true, strides = array<i32>} : memref<400x128xf32, #tpu.memory_space<vmem>>, vector<16xf32>,
        %get3A_206 = arith.index_cast %scan3A_199 : i32 to index
        %get3A_207 = arith.constant 16 : index
        %get3A_208 = tpu.vector_load %arg14[%get3A_206, %get3A_207] {strides = array<i32>} : memref<400x128xf32, #tpu.memory_space<vmem>>, vector<16xf32>,
        %swap3A_209 = arith.index_cast %scan3A_199 : i32 to index
        %swap3A_210 = arith.constant 16 : index
        %swap3A_211 = tpu.vector_load %arg13[%swap3A_209, %swap3A_210] {strides = array<i32>} : memref<400x128xf32, #tpu.memory_space<vmem>>, vector<16xf32>,
        tpu.vector_store %arg13[%swap3A_209, %swap3A_210], %get3A_208 {add = true, strides = array<i32>} : memref<400x128xf32, #tpu.memory_space<vmem>>, vector<16xf32>,
        %get3A_212 = arith.index_cast %scan3A_199 : i32 to index
        %get3A_213 = arith.constant 32 : index
        %get3A_214 = tpu.vector_load %arg14[%get3A_212, %get3A_213] {strides = array<i32>} : memref<400x128xf32, #tpu.memory_space<vmem>>, vector<16xf32>,
        %swap3A_215 = arith.index_cast %scan3A_199 : i32 to index
        %swap3A_216 = arith.constant 32 : index
        %swap3A_217 = tpu.vector_load %arg13[%swap3A_215, %swap3A_216] {strides = array<i32>} : memref<400x128xf32, #tpu.memory_space<vmem>>, vector<16xf32>,
        tpu.vector_store %arg13[%swap3A_215, %swap3A_216], %get3A_214 {add = true, strides = array<i32>} : memref<400x128xf32, #tpu.memory_space<vmem>>, vector<16xf32>,
        %get3A_218 = arith.index_cast %scan3A_199 : i32 to index
        %get3A_219 = arith.constant 48 : index
        %get3A_220 = tpu.vector_load %arg14[%get3A_218, %get3A_219] {strides = array<i32>} : memref<400x128xf32, #tpu.memory_space<vmem>>, vector<16xf32>,
        %swap3A_221 = arith.index_cast %scan3A_199 : i32 to index
        %swap3A_222 = arith.constant 48 : index
        %swap3A_223 = tpu.vector_load %arg13[%swap3A_221, %swap3A_222] {strides = array<i32>} : memref<400x128xf32, #tpu.memory_space<vmem>>, vector<16xf32>,
        tpu.vector_store %arg13[%swap3A_221, %swap3A_222], %get3A_220 {add = true, strides = array<i32>} : memref<400x128xf32, #tpu.memory_space<vmem>>, vector<16xf32>,
        %scan3A_224 = arith.constant 1 : i32
        %scan3A_225 = arith.addi %scan3A_199, %scan3A_224 : i32
        %get3A_226 = arith.index_cast %scan3A_225 : i32 to index
        %get3A_227 = arith.constant 0 : index
        %get3A_228 = tpu.vector_load %arg14[%get3A_226, %get3A_227] {strides = array<i32>} : memref<400x128xf32, #tpu.memory_space<vmem>>, vector<16xf32>,
        %swap3A_229 = arith.index_cast %scan3A_225 : i32 to index
        %swap3A_230 = arith.constant 0 : index
        %swap3A_231 = tpu.vector_load %arg13[%swap3A_229, %swap3A_230] {strides = array<i32>} : memref<400x128xf32, #tpu.memory_space<vmem>>, vector<16xf32>,
        tpu.vector_store %arg13[%swap3A_229, %swap3A_230], %get3A_228 {add = true, strides = array<i32>} : memref<400x128xf32, #tpu.memory_space<vmem>>, vector<16xf32>,
        %get3A_232 = arith.index_cast %scan3A_225 : i32 to index
        %get3A_233 = arith.constant 16 : index
        %get3A_234 = tpu.vector_load %arg14[%get3A_232, %get3A_233] {strides = array<i32>} : memref<400x128xf32, #tpu.memory_space<vmem>>, vector<16xf32>,
        %swap3A_235 = arith.index_cast %scan3A_225 : i32 to index
        %swap3A_236 = arith.constant 16 : index
        %swap3A_237 = tpu.vector_load %arg13[%swap3A_235, %swap3A_236] {strides = array<i32>} : memref<400x128xf32, #tpu.memory_space<vmem>>, vector<16xf32>,
        tpu.vector_store %arg13[%swap3A_235, %swap3A_236], %get3A_234 {add = true, strides = array<i32>} : memref<400x128xf32, #tpu.memory_space<vmem>>, vector<16xf32>,
        %get3A_238 = arith.index_cast %scan3A_225 : i32 to index
        %get3A_239 = arith.constant 32 : index
        %get3A_240 = tpu.vector_load %arg14[%get3A_238, %get3A_239] {strides = array<i32>} : memref<400x128xf32, #tpu.memory_space<vmem>>, vector<16xf32>,
        %swap3A_241 = arith.index_cast %scan3A_225 : i32 to index
        %swap3A_242 = arith.constant 32 : index
        %swap3A_243 = tpu.vector_load %arg13[%swap3A_241, %swap3A_242] {strides = array<i32>} : memref<400x128xf32, #tpu.memory_space<vmem>>, vector<16xf32>,
        tpu.vector_store %arg13[%swap3A_241, %swap3A_242], %get3A_240 {add = true, strides = array<i32>} : memref<400x128xf32, #tpu.memory_space<vmem>>, vector<16xf32>,
        %get3A_244 = arith.index_cast %scan3A_225 : i32 to index
        %get3A_245 = arith.constant 48 : index
        %get3A_246 = tpu.vector_load %arg14[%get3A_244, %get3A_245] {strides = array<i32>} : memref<400x128xf32, #tpu.memory_space<vmem>>, vector<16xf32>,
        %swap3A_247 = arith.index_cast %scan3A_225 : i32 to index
        %swap3A_248 = arith.constant 48 : index
        %swap3A_249 = tpu.vector_load %arg13[%swap3A_247, %swap3A_248] {strides = array<i32>} : memref<400x128xf32, #tpu.memory_space<vmem>>, vector<16xf32>,
        tpu.vector_store %arg13[%swap3A_247, %swap3A_248], %get3A_246 {add = true, strides = array<i32>} : memref<400x128xf32, #tpu.memory_space<vmem>>, vector<16xf32>,
      }
      %scan3A_198 = arith.constant 400 : i32
      "tpu.region"() ({
        %run_scoped3A = tpu.sem_alloc : memref<!tpu.dma_semaphore, #tpu.memory_space<semaphore_mem>>
        %dma_start3A_199 = arith.constant 0 : i32
        %dma_start3A_200 = tpu.memref_slice %arg8[%add3A_37, %dma_start3A_199] : memref<204800x128xf32, #tpu.memory_space<hbm>> -> memref<400x128xf32, #tpu.memory_space<hbm>>
        %dma_start3A_201 = arith.constant 0 : i32
        %dma_start3A_202 = tpu.memref_slice %arg8[%add3A_37, %dma_start3A_201] : memref<204800x128xf32, #tpu.memory_space<hbm>> -> memref<400x128xf32, #tpu.memory_space<hbm>>
        tpu.enqueue_dma source(%arg13 : memref<400x128xf32, #tpu.memory_space<vmem>>) target(%dma_start3A_202 : memref<400x128xf32, #tpu.memory_space<hbm>>) target_semaphore(%run_scoped3A : memref<!tpu.dma_semaphore, #tpu.memory_space<semaphore_mem>>)
        %dma_wait3A_203 = arith.constant 0 : i32
        %dma_wait3A_204 = tpu.memref_slice %arg8[%add3A_37, %dma_wait3A_203] : memref<204800x128xf32, #tpu.memory_space<hbm>> -> memref<400x128xf32, #tpu.memory_space<hbm>>
        %dma_wait3A_205 = arith.constant 0 : i32
        %dma_wait3A_206 = tpu.memref_slice %arg8[%add3A_37, %dma_wait3A_205] : memref<204800x128xf32, #tpu.memory_space<hbm>> -> memref<400x128xf32, #tpu.memory_space<hbm>>
        tpu.wait_dma2 semaphore(%run_scoped3A : memref<!tpu.dma_semaphore, #tpu.memory_space<semaphore_mem>>) src(%arg13 : memref<400x128xf32, #tpu.memory_space<vmem>>) dst(%dma_wait3A_206 : memref<400x128xf32, #tpu.memory_space<hbm>>)
        tpu.yield
      }) : () -> ()
    }
    %scan3A_33 = arith.constant 16 : i32
    return
  }
}

</mosaic_0001>

<sc_bundles>
// kernel: _bert_embed.3.cloned.1.call-start
scs
__scs_entry_jumppad:
0x0: {  	(pc) =	sbr.rel $0x88, $3  }
0x1: {  	(tag) =	ssettag $0x0;
	lr =	simm.s32 $0x1  }
0x2: {  	[smem:$0x3F9B] =	sst lr;
	_ =	strace $0xD0000000  }
0x3: {  	_ = 	snop  }
0x4: {  	_ = 	snop  }
0x5: {  	_ = 	snop  }
0x6: {  	_ = 	snop  }
0x7: {  	_ = 	snop  }
__scs_overlays_trampoline_lowered:
0x8: {  	[smem:$0x3FAA] =	sst s0  }
0x9: {  	[smem:$0x3FAB] =	sst s1  }
0xa: {  	[smem:$0x3FAC] =	sst s2  }
0xb: {  	[smem:$0x3FAD] =	sst s3  }
0xc: {  	[smem:$0x3FAE] =	sst s4  }
0xd: {  	[smem:$0x3FAF] =	sst s5  }
0xe: {  	[smem:$0x3FB0] =	sst s6  }
0xf: {  	[smem:$0x3FB1] =	sst s7  }
0x10: {  	[smem:$0x3FB2] =	sst s8  }
0x11: {  	[smem:$0x3FB3] =	sst s9;
	s0 =	simm.s32 @!p0 $0x0  }
0x12: {  	s1 =	sld [smem:$0x3F99];
	s0 =	simm.s32 @p0 $0x1  }
0x13: {  	[smem:$0x3FB4] =	sst s0;
	s0 =	simm.s32 @!p1 $0x0  }
0x14: {  	s2 =	sld [smem:$0x3F98];
	s0 =	simm.s32 @p1 $0x1  }
0x15: {  	[smem:$0x3FB5] =	sst s0;
	s0 =	simm.s32 @!p2 $0x0  }
0x16: {  	s3 =	sld [smem:$0x3FDB];
	s0 =	simm.s32 @p2 $0x1  }
0x17: {  	s4 =	simm.s32 $0x1BF5;
	[smem:$0x3FB7] =	sst s0  }
0x18: {  	s0 =	sld [smem:$0x3F9A];
	_ =	swait.ge [sflag:s4], $0x0  }
0x19: {  	s7 =	sld [smem:$0x3F9B]  }
0x1a: {  	s8 =	sadd.s32 $0xFFFFE003, lr  }
0x1b: {  	s9 =	sadd.s32 $0xFFFFFEF7, lr;
	s5 =	simm.s32 $0xFFFFFFFF;
	p2 =	slt.u32 s8, $0xFFFFF086  }
0x1c: {  	p1 =	slt.u32 s9, $0xF7A;
	s5 =	simm.s32 @!p2 $0x0  }
0x1d: {  	s5 =	simm.s32 @p1 $0x1;
	p0 =	seq.s32 s7, s2  }
0x1e: {  	s7 =	smul.u32 @!p0 $0xF7A, s2;
	p2 =	seq.s32 @!p0 s5, $0x0  }
0x1f: {  	s9 =	smul.u32 $0xF7A, s1;
	s8 =	simm.s32 @!p0 $0x1BF5;
	p2 =	por !p2, p0  }
0x20: {  	[sflag:s8] =	ssyncset.s32 @!p0 $0xFFFFF086;
	s6 =	sadd.s32 @!p0 s3, s7;
	s7 =	simm.s32 @!p0 $0x108  }
0x21: {  	s3 =	sadd.s32 s3, s9;
	s6 =	sadd.s32 @!p0 $0x88, s6;
	s7 =	simm.s32 @p2 $0x1082  }
0x22: {  	[simem:s7], [sflag:s8] =	dma.local @!p0 [hbm:s6], $0xF7A  }
0x23: {  	s9 =	sor.u32 $0xD0000000, s2;
	s6 =	simm.s32 $0x108;
	_ =	swait.ge @!p0 [sflag:s8], $0x0  }
0x24: {  	s3 =	sadd.s32 $0x88, s3;
	s6 =	simm.s32 @!p1 $0x1082;
	[sflag:s4] =	ssyncset.s32 $0xFFFFF086  }
0x25: {  	[simem:s6], [sflag:s4] =	dma.local [hbm:s3], $0xF7A  }
0x26: {  	[smem:$0x3F9B] =	sst s1;
	(tag) =	ssettag s2;
	_ =	strace s9  }
0x27: {  	s1 =	sld [smem:$0x3FAB]  }
0x28: {  	s2 =	sld [smem:$0x3FAC]  }
0x29: {  	s4 =	sld [smem:$0x3FAE]  }
0x2a: {  	p0 =	seq.s32 s5, $0x0;
	s5 =	sld [smem:$0x3FAF]  }
0x2b: {  	s6 =	sld [smem:$0x3FB0]  }
0x2c: {  	s7 =	sld [smem:$0x3FB1]  }
0x2d: {  	s3 =	simm.s32 $0x108;
	s8 =	sld [smem:$0x3FB2]  }
0x2e: {  	s3 =	simm.s32 @!p0 $0x1082;
	s9 =	sld [smem:$0x3FB3]  }
0x2f: {  	lr =	sadd.s32 s0, s3;
	s0 =	sld [smem:$0x3FAA]  }
0x30: {  	s3 =	sld [smem:$0x3FAD]  }
0x31: {  	[smem:$0x3FB6] =	sst s10  }
0x32: {  	s10 =	sld [smem:$0x3FB4];
	_ =	sdelay $0x3  }
0x33: {  	p0 =	seq.s32 s10, $0x1;
	s10 =	sld [smem:$0x3FB6];
	_ =	sdelay $0x3  }
0x34: {  	[smem:$0x3FB6] =	sst s10  }
0x35: {  	s10 =	sld [smem:$0x3FB5];
	_ =	sdelay $0x3  }
0x36: {  	p1 =	seq.s32 s10, $0x1;
	s10 =	sld [smem:$0x3FB6];
	_ =	sdelay $0x3  }
0x37: {  	[smem:$0x3FB6] =	sst s10  }
0x38: {  	s10 =	sld [smem:$0x3FB7]  }
0x39: {  	_ = 	snop;
	(pc) =	sbr.ind lr, $3  }
0x3a: {  	_ = 	snop  }
0x3b: {  	_ = 	snop  }
0x3c: {  	p2 =	seq.s32 s10, $0x1;
	s10 =	sld [smem:$0x3FB6]  }
0x3d: {  	_ =	shalt  }
0x3e: {  	_ =	shalt  }
0x3f: {  	_ =	shalt  }
0x40: {  	_ =	shalt  }
0x41: {  	_ =	shalt  }
0x42: {  	_ =	shalt  }
0x43: {  	_ =	shalt  }
0x44: {  	_ =	shalt  }
0x45: {  	_ =	shalt  }
0x46: {  	_ =	shalt  }
0x47: {  	_ =	shalt  }
0x48: {  	_ =	shalt  }
0x49: {  	_ =	shalt  }
0x4a: {  	_ =	shalt  }
0x4b: {  	_ =	shalt  }
0x4c: {  	_ =	shalt  }
0x4d: {  	_ =	shalt  }
0x4e: {  	_ =	shalt  }
0x4f: {  	_ =	shalt  }
0x50: {  	_ =	shalt  }
0x51: {  	_ =	shalt  }
0x52: {  	_ =	shalt  }
0x53: {  	_ =	shalt  }
0x54: {  	_ =	shalt  }
0x55: {  	_ =	shalt  }
0x56: {  	_ =	shalt  }
0x57: {  	_ =	shalt  }
0x58: {  	_ =	shalt  }
0x59: {  	_ =	shalt  }
0x5a: {  	_ =	shalt  }
0x5b: {  	_ =	shalt  }
0x5c: {  	_ =	shalt  }
0x5d: {  	_ =	shalt  }
0x5e: {  	_ =	shalt  }
0x5f: {  	_ =	shalt  }
0x60: {  	_ =	shalt  }
0x61: {  	_ =	shalt  }
0x62: {  	_ =	shalt  }
0x63: {  	_ =	shalt  }
0x64: {  	_ =	shalt  }
0x65: {  	_ =	shalt  }
0x66: {  	_ =	shalt  }
0x67: {  	_ =	shalt  }
0x68: {  	_ =	shalt  }
0x69: {  	_ =	shalt  }
0x6a: {  	_ =	shalt  }
0x6b: {  	_ =	shalt  }
0x6c: {  	_ =	shalt  }
0x6d: {  	_ =	shalt  }
0x6e: {  	_ =	shalt  }
0x6f: {  	_ =	shalt  }
0x70: {  	_ =	shalt  }
0x71: {  	_ =	shalt  }
0x72: {  	_ =	shalt  }
0x73: {  	_ =	shalt  }
0x74: {  	_ =	shalt  }
0x75: {  	_ =	shalt  }
0x76: {  	_ =	shalt  }
0x77: {  	_ =	shalt  }
0x78: {  	_ =	shalt  }
0x79: {  	_ =	shalt  }
0x7a: {  	_ =	shalt  }
0x7b: {  	_ =	shalt  }
0x7c: {  	_ =	shalt  }
0x7d: {  	_ =	shalt  }
0x7e: {  	_ =	shalt  }
0x7f: {  	_ =	shalt  }
0x80: {  	_ =	shalt  }
0x81: {  	_ =	shalt  }
0x82: {  	_ =	shalt  }
0x83: {  	_ =	shalt  }
0x84: {  	_ =	shalt  }
0x85: {  	_ =	shalt  }
0x86: {  	_ =	shalt  }
0x87: {  	_ =	shalt  }
.Lfunc_end0:
.L_simem_size_0:
called_computation_lowered:
.L_overlay_start_0:
0x88: {  	s2 =	sld [smem:$0x3FD9]  }
0x89: {  	s3 =	sld [smem:$0x3FFE];
	_ =	sdelay $0x1  }
0x8a: {  	s1 =	srdreg.scid  }
0x8b: {  	s0 =	sand.u32 $0x1, s1  }
0x8c: {  	s18 =	sshll.u32 s0, $0xA;
	s2 =	sadd.s32 s3, s2  }
0x8d: {  	s2 =	sadd.s32 s2, s18  }
0x8e: {  	[smem:$0x3FC2] =	sst s2  }
0x8f: {  	_ = 	snop  }
0x90: {  	s2 =	sld [smem:$0x3FC9]  }
0x91: {  	s19 =	sld [smem:$0x3FC8]  }
0x92: {  	s4 =	sld [smem:$0x3FC7]  }
0x93: {  	s5 =	sld [smem:$0x3FC6]  }
0x94: {  	s6 =	sld [smem:$0x3FC5]  }
0x95: {  	s7 =	sld [smem:$0x3FC4]  }
0x96: {  	s8 =	sld [smem:$0x3FD0];
	(tm) =	ssettm $0x1  }
0x97: {  	s9 =	sld [smem:$0x3FFB];
	_ =	sdelay $0x3  }
0x98: {  	_ =	strace s9  }
0x99: {  	s9 =	sld [smem:$0x3FFC];
	_ =	sdelay $0x3  }
0x9a: {  	_ =	strace s9  }
0x9b: {  	s9 =	sld [smem:$0x3FFD];
	_ =	sdelay $0x3  }
0x9c: {  	_ =	strace s9  }
0x9d: {  	_ =	strace $0x8FFFFFFF  }
0x9e: {  	s20 =	sld [smem:$0x3FDB];
	_ =	sdelay $0x1  }
0x9f: {  	s10 =	simm.s32 $_scs_section_size  }
0xa0: {  	s11 =	simm.s32 $_size__tile_overlayer_lowered;
	s12 =	simm.s32 $_tile_overlayer_lowered  }
0xa1: {  	s23 =	simm.s32 $0x1BFF;
	s22 =	sshll.u32 s12, $0x1;
	s9 =	sadd.s32 s10, s20  }
0xa2: {  	s13 =	simm.s32 $0x0;
	s21 =	sshll.u32 s11, $0x1;
	s11 =	sadd.s32 s22, s9  }
0xa3: {  	[timem:s13], [sflag:s23] =	dma.local [hbm:s11], s21  }
0xa4: {  	_ =	swait.ge [sflag:s23], s21  }
0xa5: {  	s10 =	ssub.s32 $0x0, s21;
	[sflag:s23] =	ssyncset.done $0x0  }
0xa6: {  	[sflag:s23] =	ssyncadd.s32 s10;
	_ =	sdelay $0x1  }
0xa7: {  	s24 =	simm.s32 $0x1B8B  }
0xa8: {  	_ =	swait.ge [sflag:s24], $0x1  }
0xa9: {  	[sflag:s24] =	ssyncset.done $0x0  }
0xaa: {  	s25 =	simm.s32 $0x1B8E;
	[sflag:s24] =	ssyncadd.s32 $0xFFFFFFFF  }
0xab: {  	s26 =	simm.s32 $execute0_lowered;
	[smem:$0x3FD2] =	sst s25  }
0xac: {  	s10 =	sshll.u32 s26, $0x1;
	_ =	strace $0x80000046;
	[dreg:$0x1] =	wrdreg $0xFFFFFFFF  }
0xad: {  	s28 =	simm.s32 $_size_execute0_lowered;
	s9 =	sadd.s32 s9, s10;
	[dreg:$0x0] =	wrdreg $0x0  }
0xae: {  	s10 =	sshll.u32 s28, $0x1;
	[dreg:$0x2] =	wrdreg s9  }
0xaf: {  	[dreg:$0x3] =	wrdreg s10  }
0xb0: {  	[dreg:$0x4] =	wrdreg $0xC0  }
0xb1: {  	_ =	task [dreg:s13], $0x5FFFF  }
0xb2: {  	[dreg:$0x1] =	wrdreg $0xFFFFFFFF  }
0xb3: {  	[dreg:$0x0] =	wrdreg $0x60  }
0xb4: {  	[dreg:$0x2] =	wrdreg s2  }
0xb5: {  	[dreg:$0x3] =	wrdreg s19  }
0xb6: {  	[dreg:$0x4] =	wrdreg s4  }
0xb7: {  	[dreg:$0x5] =	wrdreg s5  }
0xb8: {  	[dreg:$0x6] =	wrdreg s6  }
0xb9: {  	[dreg:$0x7] =	wrdreg s7  }
0xba: {  	[dreg:$0x8] =	wrdreg s8  }
0xbb: {  	[dreg:$0x9] =	wrdreg $0x0  }
0xbc: {  	[dreg:$0xa] =	wrdreg $0x9  }
0xbd: {  	_ =	task.clear_ibuf [dreg:s13], $0xBFFFF;
	_ =	strace $0x90000046  }
0xbe: {  	s29 =	simm.s32 $0x9;
	_ =	strace $0x80000048  }
0xbf: {  	_ =	swait.ge [sflag:s29], $0x1  }
0xc0: {  	[sflag:s29] =	ssyncadd.s32 $0xFFFFFFFF  }
0xc1: {  	_ =	strace $0x90000048  }
0xc2: {  	_ =	sfence  }
0xc3: {  	s30 =	sld [smem:$0x0];
	_ =	sdelay $0x2  }
0xc4: {  	s31 =	sshll.u32 s1, $0xD;
	s1 =	sshrl.u32 s1, $0x2  }
0xc5: {  	s3 =	sand.u32 $0x4000, s31;
	s1 =	sadd.s32 s1, s30  }
0xc6: {  	s0 =	sor.u32 s3, s0;
	s1 =	sshll.u32 s1, $0x11  }
0xc7: {  	s0 =	sor.u32 s1, s0  }
0xc8: {  	s0 =	sadd.s32 $0x8F2B, s0  }
0xc9: {  	[sflag:s0] =	ssyncadd.remote.s32 $0x1  }
0xca: {  	_ =	sfence.sel $0xFFFF  }
0xcb: {  	[dreg:$0x0] =	wrdreg $0xFFFFFFFF;
	(pc) =	sbr.abs _section_cstart, $3  }
0xcc: {  	[dreg:$0x1] =	wrdreg $0xFFFFFFFF  }
0xcd: {  	_ =	task.clear_ibuf [dreg:s13], $0x2FFFF;
	_ =	strace $0x9FFFFFFF  }
0xce: {  	(tm) =	ssettm $0x7FFFFFFF  }
0xcf: {  	_ =	shalt  }
tec
execute0_lowered:
.L_overlay_start_1:
0x0: {  	(tag) =	ssettag $0x1  }
0x1: {  	s4 =	rddreg [dreg:$0x3]  }
0x2: {  	s0 =	rddreg [dreg:$0x4]  }
0x3: {  	s7 =	rddreg [dreg:$0x7];
	s1 =	srdreg.scid;
	s8 =	simm.s32 $0x0  }
0x4: {  	s6 =	stileid.u32;
	s17 =	simm.s32 $0x4;
	s21 =	simm.s32 $0x4000  }
0x5: {  	s20 =	simm.s32 $0x1E200;
	s28 =	simm.s32 $0x11A00;
	s29 =	simm.s32 $0x1E280  }
0x6: {  	s30 =	simm.s32 $0x9200;
	s31 =	simm.s32 $0x1E880;
	s9 =	simm.s32 $0x1E300  }
0x7: {  	s16 =	simm.s32 $0x1E900;
	s18 =	simm.s32 $0x19A00;
	s12 =	simm.s32 $0x10  }
0x8: {  	s13 =	simm.s32 $0x1E380;
	s14 =	simm.s32 $0x11200;
	s15 =	simm.s32 $0x1E980  }
0x9: {  	s10 =	simm.s32 $0x1DA00;
	s19 =	simm.s32 $0x2;
	s1 =	sand.u32 $0x1, s1  }
0xa: {  	[smem:$0x7FF] =	sst s8;
	s22 =	sshll.u32 s6, $0x1;
	s5 =	sshll.u32 s6, $0xC  }
0xb: {  	s23 =	sshll.u32 s6, $0x9;
	s2 =	ssub.s32 $0x2, s1;
	_ =	strace $0x80000047  }
0xc: {  	s1 =	sor.u32 s1, s22;
	s5 =	sadd.s32 s5, s7;
	s0 =	sadd.s32 s0, s23  }
0xd: {  	s23 =	simm.s32 $0x1;
	s3 =	sshrl.u32 s2, $0x1;
	[dreg:$0xa] =	wrdreg s0  }
0xe: {  	s11 =	smul.u32 $0x1900, s1;
	s24 =	sadd.s32 $0x10000, s5;
	[dreg:$0x9] =	wrdreg s5  }
0xf: {  	s25 =	sadd.s32 $0x20000, s5;
	s5 =	simm.s32 $0xD200;
	[dreg:$0xb] =	wrdreg s24  }
0x10: {  	s0 =	simm.s32 $0x3;
	s2 =	ssub.s32 s2, s3;
	[dreg:$0xc] =	wrdreg s25  }
0x11: {  	s24 =	simm.s32 $0x80;
	s25 =	simm.s32 $0x5200;
	s26 =	smax.u32 s2, $0x1  }
0x12: {  	s3 =	simm.s32 $0x15A00;
	s2 =	simm.s32 $0x0;
	[dreg:$0xd] =	wrdreg s26  }
.LBB2_1:
0x13: {  	[dreg:$0xe] =	wrdreg s2  }
0x14: {  	s1 =	rddreg [dreg:$0xa];
	s6 =	simm.s32 $0x3000  }
0x15: {  	[tilespmem:s6], [sflag:$0x4] =	stream.linear.gather [hbm4b:s1+s8], $0x1000, $0x38;
	[tilespmem:$0x1EA00] =	vst v63  }
0x16: {  	_ =	swait.ge [sflag:s17], $0x1000  }
0x17: {  	[sflag:s17] =	ssyncset.done $0x0  }
0x18: {  	[sflag:s17] =	ssyncadd.s32 $0xFFFFF000  }
0x19: {  	s26 =	simm.s32 $0x5000;
	s22 =	rddreg [dreg:$0x5]  }
0x1a: {  	[tilespmem:s26], [sflag:$0x4] =	stream.linear.gather [hbm4b:s22+s8], $0x180, $0x38;
	[tilespmem:$0x1EA00] =	vst v63  }
0x1b: {  	_ =	swait.ge [sflag:s17], $0x180  }
0x1c: {  	[sflag:s17] =	ssyncset.done $0x0  }
0x1d: {  	s1 =	simm.s32 $0x0;
	[sflag:s17] =	ssyncadd.s32 $0xFFFFFE80  }
0x1e: {  	s2 =	simm.s32 $0x200;
	v0 =	vld [tilespmem:s1+$0x3000]  }
.LBB2_2:
0x1f: {  	p0 =	sne.s32 s2, $0x3E00;
	v1 =	vld [tilespmem:$0x5000];
	_ =	sdelay $0x4  }
0x20: {  	v0 =	vadd.f32 v1, v0;
	_ =	sdelay $0x1  }
0x21: {  	[tilespmem:s1+$0x4000] =	vst v0;
	v0 =	vld [tilespmem:s1+$0x3010]  }
0x22: {  	v1 =	vld [tilespmem:$0x5010];
	_ =	sdelay $0x4  }
0x23: {  	v0 =	vadd.f32 v1, v0;
	_ =	sdelay $0x1  }
0x24: {  	[tilespmem:s1+$0x4010] =	vst v0;
	v0 =	vld [tilespmem:s1+$0x3020]  }
0x25: {  	v1 =	vld [tilespmem:$0x5020];
	_ =	sdelay $0x4  }
0x26: {  	v0 =	vadd.f32 v1, v0;
	_ =	sdelay $0x1  }
0x27: {  	[tilespmem:s1+$0x4020] =	vst v0;
	v0 =	vld [tilespmem:s1+$0x3030]  }
0x28: {  	v1 =	vld [tilespmem:$0x5030];
	_ =	sdelay $0x4  }
0x29: {  	v0 =	vadd.f32 v1, v0;
	_ =	sdelay $0x1  }
0x2a: {  	[tilespmem:s1+$0x4030] =	vst v0;
	v0 =	vld [tilespmem:s1+$0x3040]  }
0x2b: {  	v1 =	vld [tilespmem:$0x5040];
	_ =	sdelay $0x4  }
0x2c: {  	v0 =	vadd.f32 v1, v0;
	_ =	sdelay $0x1  }
0x2d: {  	[tilespmem:s1+$0x4040] =	vst v0;
	v0 =	vld [tilespmem:s1+$0x3050]  }
0x2e: {  	v1 =	vld [tilespmem:$0x5050];
	_ =	sdelay $0x4  }
0x2f: {  	v0 =	vadd.f32 v1, v0;
	_ =	sdelay $0x1  }
0x30: {  	[tilespmem:s1+$0x4050] =	vst v0;
	v0 =	vld [tilespmem:s1+$0x3060]  }
0x31: {  	v1 =	vld [tilespmem:$0x5060];
	_ =	sdelay $0x4  }
0x32: {  	v0 =	vadd.f32 v1, v0;
	_ =	sdelay $0x1  }
0x33: {  	[tilespmem:s1+$0x4060] =	vst v0;
	v0 =	vld [tilespmem:s1+$0x3070]  }
0x34: {  	v1 =	vld [tilespmem:$0x5070];
	_ =	sdelay $0x2  }
.Ltmp0:
0x35: {  	(pc) =	sbr.rel @p0 .LBB2_2-.Ltmp0, $4  }
0x36: {  	_ = 	snop  }
0x37: {  	v1 =	vadd.f32 v1, v0  }
0x38: {  	s6 =	sshra.s32 s2, $0x2  }
0x39: {  	s2 =	sadd.s32 $0x200, s2;
	v0 =	vld [tilespmem:s6+$0x3000];
	[tilespmem:s1+$0x4070] =	vst v1;
	s1 =	smov.u32 s6  }
0x3a: {  	v1 =	vld [tilespmem:$0x5000];
	_ =	sdelay $0x4  }
0x3b: {  	v0 =	vadd.f32 v1, v0;
	_ =	sdelay $0x1  }
0x3c: {  	[tilespmem:s1+$0x4000] =	vst v0;
	v0 =	vld [tilespmem:s1+$0x3010]  }
0x3d: {  	v1 =	vld [tilespmem:$0x5010];
	_ =	sdelay $0x4  }
0x3e: {  	v0 =	vadd.f32 v1, v0;
	_ =	sdelay $0x1  }
0x3f: {  	[tilespmem:s1+$0x4010] =	vst v0;
	v0 =	vld [tilespmem:s1+$0x3020]  }
0x40: {  	v1 =	vld [tilespmem:$0x5020];
	_ =	sdelay $0x4  }
0x41: {  	v0 =	vadd.f32 v1, v0;
	_ =	sdelay $0x1  }
0x42: {  	[tilespmem:s1+$0x4020] =	vst v0;
	v0 =	vld [tilespmem:s1+$0x3030]  }
0x43: {  	v1 =	vld [tilespmem:$0x5030];
	_ =	sdelay $0x4  }
0x44: {  	v0 =	vadd.f32 v1, v0;
	_ =	sdelay $0x1  }
0x45: {  	[tilespmem:s1+$0x4030] =	vst v0;
	v0 =	vld [tilespmem:s1+$0x3040]  }
0x46: {  	v1 =	vld [tilespmem:$0x5040];
	_ =	sdelay $0x4  }
0x47: {  	v0 =	vadd.f32 v1, v0;
	_ =	sdelay $0x1  }
0x48: {  	[tilespmem:s1+$0x4040] =	vst v0;
	v0 =	vld [tilespmem:s1+$0x3050]  }
0x49: {  	v1 =	vld [tilespmem:$0x5050];
	_ =	sdelay $0x4  }
0x4a: {  	v0 =	vadd.f32 v1, v0;
	_ =	sdelay $0x1  }
0x4b: {  	[tilespmem:s1+$0x4050] =	vst v0;
	v0 =	vld [tilespmem:s1+$0x3060]  }
0x4c: {  	v1 =	vld [tilespmem:$0x5060];
	_ =	sdelay $0x4  }
0x4d: {  	v0 =	vadd.f32 v1, v0;
	_ =	sdelay $0x1  }
0x4e: {  	[tilespmem:s1+$0x4060] =	vst v0;
	v0 =	vld [tilespmem:s1+$0x3070]  }
0x4f: {  	v1 =	vld [tilespmem:$0x5070];
	_ =	sdelay $0x4  }
0x50: {  	v0 =	vadd.f32 v1, v0;
	_ =	sdelay $0x1  }
0x51: {  	s26 =	rddreg [dreg:$0x9];
	[tilespmem:s1+$0x4070] =	vst v0  }
0x52: {  	[spmem:s26] =	stream.linear.scatter [tilespmem:s21], [sflag:$0x4], $0x1000, $0x38;
	[tilespmem:$0x1EA00] =	vst v63  }
0x53: {  	_ =	swait.ge [sflag:s17], $0x1000  }
0x54: {  	[sflag:s17] =	ssyncset.done $0x0  }
0x55: {  	s1 =	simm.s32 $0x0;
	[sflag:s17] =	ssyncadd.s32 $0xFFFFF000  }
0x56: {  	s2 =	simm.s32 $0x200;
	v0 =	vld [tilespmem:s1+$0x3000]  }
.LBB2_4:
0x57: {  	p0 =	sne.s32 s2, $0x3E00;
	v1 =	vld [tilespmem:$0x5080];
	_ =	sdelay $0x4  }
0x58: {  	v0 =	vadd.f32 v1, v0;
	_ =	sdelay $0x1  }
0x59: {  	[tilespmem:s1+$0x4000] =	vst v0;
	v0 =	vld [tilespmem:s1+$0x3010]  }
0x5a: {  	v1 =	vld [tilespmem:$0x5090];
	_ =	sdelay $0x4  }
0x5b: {  	v0 =	vadd.f32 v1, v0;
	_ =	sdelay $0x1  }
0x5c: {  	[tilespmem:s1+$0x4010] =	vst v0;
	v0 =	vld [tilespmem:s1+$0x3020]  }
0x5d: {  	v1 =	vld [tilespmem:$0x50A0];
	_ =	sdelay $0x4  }
0x5e: {  	v0 =	vadd.f32 v1, v0;
	_ =	sdelay $0x1  }
0x5f: {  	[tilespmem:s1+$0x4020] =	vst v0;
	v0 =	vld [tilespmem:s1+$0x3030]  }
0x60: {  	v1 =	vld [tilespmem:$0x50B0];
	_ =	sdelay $0x4  }
0x61: {  	v0 =	vadd.f32 v1, v0;
	_ =	sdelay $0x1  }
0x62: {  	[tilespmem:s1+$0x4030] =	vst v0;
	v0 =	vld [tilespmem:s1+$0x3040]  }
0x63: {  	v1 =	vld [tilespmem:$0x50C0];
	_ =	sdelay $0x4  }
0x64: {  	v0 =	vadd.f32 v1, v0;
	_ =	sdelay $0x1  }
0x65: {  	[tilespmem:s1+$0x4040] =	vst v0;
	v0 =	vld [tilespmem:s1+$0x3050]  }
0x66: {  	v1 =	vld [tilespmem:$0x50D0];
	_ =	sdelay $0x4  }
0x67: {  	v0 =	vadd.f32 v1, v0;
	_ =	sdelay $0x1  }
0x68: {  	[tilespmem:s1+$0x4050] =	vst v0;
	v0 =	vld [tilespmem:s1+$0x3060]  }
0x69: {  	v1 =	vld [tilespmem:$0x50E0];
	_ =	sdelay $0x4  }
0x6a: {  	v0 =	vadd.f32 v1, v0;
	_ =	sdelay $0x1  }
0x6b: {  	[tilespmem:s1+$0x4060] =	vst v0;
	v0 =	vld [tilespmem:s1+$0x3070]  }
0x6c: {  	v1 =	vld [tilespmem:$0x50F0];
	_ =	sdelay $0x2  }
.Ltmp1:
0x6d: {  	(pc) =	sbr.rel @p0 .LBB2_4-.Ltmp1, $4  }
0x6e: {  	_ = 	snop  }
0x6f: {  	v1 =	vadd.f32 v1, v0  }
0x70: {  	s6 =	sshra.s32 s2, $0x2  }
0x71: {  	s2 =	sadd.s32 $0x200, s2;
	v0 =	vld [tilespmem:s6+$0x3000];
	[tilespmem:s1+$0x4070] =	vst v1;
	s1 =	smov.u32 s6  }
0x72: {  	v1 =	vld [tilespmem:$0x5080];
	_ =	sdelay $0x4  }
0x73: {  	v0 =	vadd.f32 v1, v0;
	_ =	sdelay $0x1  }
0x74: {  	[tilespmem:s1+$0x4000] =	vst v0;
	v0 =	vld [tilespmem:s1+$0x3010]  }
0x75: {  	v1 =	vld [tilespmem:$0x5090];
	_ =	sdelay $0x4  }
0x76: {  	v0 =	vadd.f32 v1, v0;
	_ =	sdelay $0x1  }
0x77: {  	[tilespmem:s1+$0x4010] =	vst v0;
	v0 =	vld [tilespmem:s1+$0x3020]  }
0x78: {  	v1 =	vld [tilespmem:$0x50A0];
	_ =	sdelay $0x4  }
0x79: {  	v0 =	vadd.f32 v1, v0;
	_ =	sdelay $0x1  }
0x7a: {  	[tilespmem:s1+$0x4020] =	vst v0;
	v0 =	vld [tilespmem:s1+$0x3030]  }
0x7b: {  	v1 =	vld [tilespmem:$0x50B0];
	_ =	sdelay $0x4  }
0x7c: {  	v0 =	vadd.f32 v1, v0;
	_ =	sdelay $0x1  }
0x7d: {  	[tilespmem:s1+$0x4030] =	vst v0;
	v0 =	vld [tilespmem:s1+$0x3040]  }
0x7e: {  	v1 =	vld [tilespmem:$0x50C0];
	_ =	sdelay $0x4  }
0x7f: {  	v0 =	vadd.f32 v1, v0;
	_ =	sdelay $0x1  }
0x80: {  	[tilespmem:s1+$0x4040] =	vst v0;
	v0 =	vld [tilespmem:s1+$0x3050]  }
0x81: {  	v1 =	vld [tilespmem:$0x50D0];
	_ =	sdelay $0x4  }
0x82: {  	v0 =	vadd.f32 v1, v0;
	_ =	sdelay $0x1  }
0x83: {  	[tilespmem:s1+$0x4050] =	vst v0;
	v0 =	vld [tilespmem:s1+$0x3060]  }
0x84: {  	v1 =	vld [tilespmem:$0x50E0];
	_ =	sdelay $0x4  }
0x85: {  	v0 =	vadd.f32 v1, v0;
	_ =	sdelay $0x1  }
0x86: {  	[tilespmem:s1+$0x4060] =	vst v0;
	v0 =	vld [tilespmem:s1+$0x3070]  }
0x87: {  	v1 =	vld [tilespmem:$0x50F0];
	_ =	sdelay $0x4  }
0x88: {  	v0 =	vadd.f32 v1, v0;
	_ =	sdelay $0x1  }
0x89: {  	s26 =	rddreg [dreg:$0xb];
	[tilespmem:s1+$0x4070] =	vst v0  }
0x8a: {  	[spmem:s26] =	stream.linear.scatter [tilespmem:s21], [sflag:$0x4], $0x1000, $0x38;
	[tilespmem:$0x1EA00] =	vst v63  }
0x8b: {  	_ =	swait.ge [sflag:s17], $0x1000  }
0x8c: {  	[sflag:s17] =	ssyncset.done $0x0  }
0x8d: {  	s1 =	simm.s32 $0x0;
	[sflag:s17] =	ssyncadd.s32 $0xFFFFF000  }
0x8e: {  	s2 =	simm.s32 $0x200;
	v0 =	vld [tilespmem:s1+$0x3000]  }
.LBB2_6:
0x8f: {  	p0 =	sne.s32 s2, $0x3E00;
	v1 =	vld [tilespmem:$0x5100];
	_ =	sdelay $0x4  }
0x90: {  	v0 =	vadd.f32 v1, v0;
	_ =	sdelay $0x1  }
0x91: {  	[tilespmem:s1+$0x4000] =	vst v0;
	v0 =	vld [tilespmem:s1+$0x3010]  }
0x92: {  	v1 =	vld [tilespmem:$0x5110];
	_ =	sdelay $0x4  }
0x93: {  	v0 =	vadd.f32 v1, v0;
	_ =	sdelay $0x1  }
0x94: {  	[tilespmem:s1+$0x4010] =	vst v0;
	v0 =	vld [tilespmem:s1+$0x3020]  }
0x95: {  	v1 =	vld [tilespmem:$0x5120];
	_ =	sdelay $0x4  }
0x96: {  	v0 =	vadd.f32 v1, v0;
	_ =	sdelay $0x1  }
0x97: {  	[tilespmem:s1+$0x4020] =	vst v0;
	v0 =	vld [tilespmem:s1+$0x3030]  }
0x98: {  	v1 =	vld [tilespmem:$0x5130];
	_ =	sdelay $0x4  }
0x99: {  	v0 =	vadd.f32 v1, v0;
	_ =	sdelay $0x1  }
0x9a: {  	[tilespmem:s1+$0x4030] =	vst v0;
	v0 =	vld [tilespmem:s1+$0x3040]  }
0x9b: {  	v1 =	vld [tilespmem:$0x5140];
	_ =	sdelay $0x4  }
0x9c: {  	v0 =	vadd.f32 v1, v0;
	_ =	sdelay $0x1  }
0x9d: {  	[tilespmem:s1+$0x4040] =	vst v0;
	v0 =	vld [tilespmem:s1+$0x3050]  }
0x9e: {  	v1 =	vld [tilespmem:$0x5150];
	_ =	sdelay $0x4  }
0x9f: {  	v0 =	vadd.f32 v1, v0;
	_ =	sdelay $0x1  }
0xa0: {  	[tilespmem:s1+$0x4050] =	vst v0;
	v0 =	vld [tilespmem:s1+$0x3060]  }
0xa1: {  	v1 =	vld [tilespmem:$0x5160];
	_ =	sdelay $0x4  }
0xa2: {  	v0 =	vadd.f32 v1, v0;
	_ =	sdelay $0x1  }
0xa3: {  	[tilespmem:s1+$0x4060] =	vst v0;
	v0 =	vld [tilespmem:s1+$0x3070]  }
0xa4: {  	v1 =	vld [tilespmem:$0x5170];
	_ =	sdelay $0x2  }
.Ltmp2:
0xa5: {  	(pc) =	sbr.rel @p0 .LBB2_6-.Ltmp2, $4  }
0xa6: {  	_ = 	snop  }
0xa7: {  	v1 =	vadd.f32 v1, v0  }
0xa8: {  	s6 =	sshra.s32 s2, $0x2  }
0xa9: {  	s2 =	sadd.s32 $0x200, s2;
	v0 =	vld [tilespmem:s6+$0x3000];
	[tilespmem:s1+$0x4070] =	vst v1;
	s1 =	smov.u32 s6  }
0xaa: {  	v1 =	vld [tilespmem:$0x5100];
	_ =	sdelay $0x4  }
0xab: {  	v0 =	vadd.f32 v1, v0;
	_ =	sdelay $0x1  }
0xac: {  	v50 =	vld [tilespmem:s1+$0x3010];
	[tilespmem:s1+$0x4000] =	vst v0  }
0xad: {  	v51 =	vld [tilespmem:$0x5110];
	_ =	sdelay $0x4  }
0xae: {  	v0 =	vadd.f32 v51, v50;
	_ =	sdelay $0x1  }
0xaf: {  	v52 =	vld [tilespmem:s1+$0x3020];
	[tilespmem:s1+$0x4010] =	vst v0  }
0xb0: {  	v53 =	vld [tilespmem:$0x5120];
	_ =	sdelay $0x4  }
0xb1: {  	v0 =	vadd.f32 v53, v52;
	_ =	sdelay $0x1  }
0xb2: {  	v54 =	vld [tilespmem:s1+$0x3030];
	[tilespmem:s1+$0x4020] =	vst v0  }
0xb3: {  	v55 =	vld [tilespmem:$0x5130];
	_ =	sdelay $0x4  }
0xb4: {  	v0 =	vadd.f32 v55, v54;
	_ =	sdelay $0x1  }
0xb5: {  	v56 =	vld [tilespmem:s1+$0x3040];
	[tilespmem:s1+$0x4030] =	vst v0  }
0xb6: {  	v57 =	vld [tilespmem:$0x5140];
	_ =	sdelay $0x4  }
0xb7: {  	v0 =	vadd.f32 v57, v56;
	_ =	sdelay $0x1  }
0xb8: {  	v58 =	vld [tilespmem:s1+$0x3050];
	[tilespmem:s1+$0x4040] =	vst v0  }
0xb9: {  	v59 =	vld [tilespmem:$0x5150];
	_ =	sdelay $0x4  }
0xba: {  	v0 =	vadd.f32 v59, v58;
	_ =	sdelay $0x1  }
0xbb: {  	v60 =	vld [tilespmem:s1+$0x3060];
	[tilespmem:s1+$0x4050] =	vst v0  }
0xbc: {  	v61 =	vld [tilespmem:$0x5160];
	_ =	sdelay $0x4  }
0xbd: {  	v0 =	vadd.f32 v61, v60;
	_ =	sdelay $0x1  }
0xbe: {  	v62 =	vld [tilespmem:s1+$0x3070];
	[tilespmem:s1+$0x4060] =	vst v0  }
0xbf: {  	v63 =	vld [tilespmem:$0x5170];
	_ =	sdelay $0x4  }
0xc0: {  	v0 =	vadd.f32 v63, v62;
	_ =	sdelay $0x1  }
0xc1: {  	s26 =	rddreg [dreg:$0xc];
	[tilespmem:s1+$0x4070] =	vst v0  }
0xc2: {  	[spmem:s26] =	stream.linear.scatter [tilespmem:s21], [sflag:$0x4], $0x1000, $0x38;
	[tilespmem:$0x1EA00] =	vst v63  }
0xc3: {  	_ =	swait.ge [sflag:s17], $0x1000  }
0xc4: {  	[sflag:s17] =	ssyncset.done $0x0  }
0xc5: {  	[sflag:s17] =	ssyncadd.s32 $0xFFFFF000  }
0xc6: {  	s2 =	simm.s32 $0x0;
	s1 =	simm.s32 $0x0;
	[bflag:$0x0] =	sbarrier.arrive $0xFFFF  }
.LBB2_8:
0xc7: {  	s6 =	smul.u32 $0x190, s2;
	_ =	sdelay $0x1  }
0xc8: {  	s6 =	sadd.s32 s11, s6  }
0xc9: {  	s22 =	rddreg [dreg:$0x0];
	s21 =	sshrl.u32 s6, $0x3  }
0xca: {  	s26 =	rddreg [dreg:$0x1];
	s22 =	sadd.s32 s22, s21  }
0xcb: {  	[tilespmem:s20], [sflag:$0x1] =	stream.linear.gather [hbm4b:s22+s1], $0x190, $0x38;
	[tilespmem:$0x1EA00] =	vst v63  }
0xcc: {  	s22 =	sadd.s32 s26, s21;
	s26 =	simm.s32 $0x1E400  }
0xcd: {  	[tilespmem:s26], [sflag:$0x1] =	stream.linear.gather [hbm4b:s22+s1], $0x190, $0x38;
	[tilespmem:$0x1EA00] =	vst v63  }
0xce: {  	s26 =	rddreg [dreg:$0x2]  }
0xcf: {  	s21 =	sadd.s32 s26, s21;
	s26 =	simm.s32 $0x1E600  }
0xd0: {  	[tilespmem:s26], [sflag:$0x1] =	stream.linear.gather [hbm4b:s21+s1], $0x190, $0x38;
	[tilespmem:$0x1EA00] =	vst v63  }
0xd1: {  	_ =	swait.ge [sflag:s23], $0x190  }
0xd2: {  	[sflag:s23] =	ssyncset.done $0x0  }
0xd3: {  	[sflag:s23] =	ssyncadd.s32 $0xFFFFFE70  }
0xd4: {  	_ =	swait.ge [sflag:s23], $0x190  }
0xd5: {  	[sflag:s23] =	ssyncset.done $0x0  }
0xd6: {  	[sflag:s23] =	ssyncadd.s32 $0xFFFFFE70  }
0xd7: {  	_ =	swait.ge [sflag:s23], $0x190  }
0xd8: {  	[sflag:s23] =	ssyncset.done $0x0  }
0xd9: {  	[sflag:s23] =	ssyncadd.s32 $0xFFFFFE70  }
0xda: {  	v0 =	vld [tilespmem:$0x1E600]  }
0xdb: {  	v1 =	vld [tilespmem:$0x1E400]  }
0xdc: {  	v2 =	vld [tilespmem:$0x1E610]  }
0xdd: {  	v3 =	vld [tilespmem:$0x1E410]  }
0xde: {  	v4 =	vld [tilespmem:$0x1E620]  }
0xdf: {  	v5 =	vld [tilespmem:$0x1E420]  }
0xe0: {  	v6 =	vld [tilespmem:$0x1E630]  }
0xe1: {  	v7 =	vld [tilespmem:$0x1E430]  }
0xe2: {  	v8 =	vld [tilespmem:$0x1E640]  }
0xe3: {  	v9 =	vld [tilespmem:$0x1E440]  }
0xe4: {  	v10 =	vld [tilespmem:$0x1E650]  }
0xe5: {  	v11 =	vld [tilespmem:$0x1E450]  }
0xe6: {  	v12 =	vld [tilespmem:$0x1E660]  }
0xe7: {  	v13 =	vld [tilespmem:$0x1E460]  }
0xe8: {  	v14 =	vld [tilespmem:$0x1E670]  }
0xe9: {  	v15 =	vld [tilespmem:$0x1E470]  }
0xea: {  	v16 =	vld [tilespmem:$0x1E680]  }
0xeb: {  	v17 =	vld [tilespmem:$0x1E480]  }
0xec: {  	v18 =	vld [tilespmem:$0x1E690]  }
0xed: {  	v19 =	vld [tilespmem:$0x1E490]  }
0xee: {  	v20 =	vld [tilespmem:$0x1E6A0]  }
0xef: {  	v21 =	vld [tilespmem:$0x1E4A0]  }
0xf0: {  	v22 =	vld [tilespmem:$0x1E6B0]  }
0xf1: {  	v23 =	vld [tilespmem:$0x1E4B0]  }
0xf2: {  	v24 =	vld [tilespmem:$0x1E6C0]  }
0xf3: {  	v25 =	vld [tilespmem:$0x1E4C0]  }
0xf4: {  	v26 =	vld [tilespmem:$0x1E6D0]  }
0xf5: {  	v27 =	vld [tilespmem:$0x1E4D0]  }
0xf6: {  	v28 =	vld [tilespmem:$0x1E6E0]  }
0xf7: {  	v29 =	vld [tilespmem:$0x1E4E0];
	v0 =	vshll.u32 v0, $0x9  }
0xf8: {  	v45 =	vld [tilespmem:$0x1E700];
	v0 =	vadd.s32 v1, v0;
	v1 =	vshll.u32 v2, $0x9  }
0xf9: {  	v46 =	vld [tilespmem:$0x1E500];
	[tilespmem:$0x1E800] =	vst v0;
	v0 =	vadd.s32 v3, v1;
	v1 =	vshll.u32 v4, $0x9  }
0xfa: {  	v47 =	vld [tilespmem:$0x1E710];
	[tilespmem:$0x1E810] =	vst v0;
	v0 =	vadd.s32 v5, v1;
	v1 =	vshll.u32 v6, $0x9  }
0xfb: {  	v48 =	vld [tilespmem:$0x1E510];
	[tilespmem:$0x1E820] =	vst v0;
	v0 =	vadd.s32 v7, v1;
	v1 =	vshll.u32 v8, $0x9  }
0xfc: {  	v49 =	vld [tilespmem:$0x1E720];
	[tilespmem:$0x1E830] =	vst v0;
	v0 =	vadd.s32 v9, v1;
	v1 =	vshll.u32 v10, $0x9  }
0xfd: {  	v50 =	vld [tilespmem:$0x1E520];
	[tilespmem:$0x1E840] =	vst v0;
	v0 =	vadd.s32 v11, v1;
	v1 =	vshll.u32 v12, $0x9  }
0xfe: {  	v51 =	vld [tilespmem:$0x1E730];
	[tilespmem:$0x1E850] =	vst v0;
	v0 =	vadd.s32 v13, v1;
	v1 =	vshll.u32 v14, $0x9  }
0xff: {  	v52 =	vld [tilespmem:$0x1E530];
	[tilespmem:$0x1E860] =	vst v0;
	v0 =	vadd.s32 v15, v1;
	v1 =	vshll.u32 v16, $0x9  }
0x100: {  	v53 =	vld [tilespmem:$0x1E740];
	[tilespmem:$0x1E870] =	vst v0;
	v0 =	vadd.s32 v17, v1;
	v1 =	vshll.u32 v18, $0x9  }
0x101: {  	v2 =	vld [tilespmem:$0x1E6F0];
	[tilespmem:$0x1E880] =	vst v0;
	v0 =	vadd.s32 v19, v1;
	v1 =	vshll.u32 v20, $0x9  }
0x102: {  	v3 =	vld [tilespmem:$0x1E4F0];
	[tilespmem:$0x1E890] =	vst v0;
	v0 =	vadd.s32 v21, v1;
	v1 =	vshll.u32 v22, $0x9  }
0x103: {  	v54 =	vld [tilespmem:$0x1E540];
	[tilespmem:$0x1E8A0] =	vst v0;
	v0 =	vadd.s32 v23, v1;
	v1 =	vshll.u32 v24, $0x9  }
0x104: {  	v55 =	vld [tilespmem:$0x1E750];
	[tilespmem:$0x1E8B0] =	vst v0;
	v0 =	vadd.s32 v25, v1;
	v1 =	vshll.u32 v26, $0x9  }
0x105: {  	v56 =	vld [tilespmem:$0x1E550];
	[tilespmem:$0x1E8C0] =	vst v0;
	v0 =	vadd.s32 v27, v1;
	v1 =	vshll.u32 v28, $0x9  }
0x106: {  	v57 =	vld [tilespmem:$0x1E770];
	[tilespmem:$0x1E8D0] =	vst v0;
	v0 =	vadd.s32 v29, v1;
	v1 =	vshll.u32 v2, $0x9  }
0x107: {  	v58 =	vld [tilespmem:$0x1E570];
	[tilespmem:$0x1E8E0] =	vst v0;
	v0 =	vadd.s32 v3, v1;
	v1 =	vshll.u32 v45, $0x9  }
0x108: {  	v2 =	vld [tilespmem:$0x1E760];
	[tilespmem:$0x1E8F0] =	vst v0;
	v0 =	vadd.s32 v46, v1;
	v1 =	vshll.u32 v47, $0x9  }
0x109: {  	v3 =	vld [tilespmem:$0x1E560];
	[tilespmem:$0x1E900] =	vst v0;
	v0 =	vadd.s32 v48, v1;
	v1 =	vshll.u32 v49, $0x9  }
0x10a: {  	v59 =	vld [tilespmem:$0x1E780];
	[tilespmem:$0x1E910] =	vst v0;
	v0 =	vadd.s32 v50, v1;
	v1 =	vshll.u32 v51, $0x9  }
0x10b: {  	v60 =	vld [tilespmem:$0x1E580];
	[tilespmem:$0x1E920] =	vst v0;
	v0 =	vadd.s32 v52, v1;
	v1 =	vshll.u32 v53, $0x9  }
0x10c: {  	[tilespmem:$0x1E930] =	vst v0;
	v0 =	vadd.s32 v54, v1;
	v1 =	vshll.u32 v55, $0x9  }
0x10d: {  	[tilespmem:$0x1E940] =	vst v0;
	v0 =	vadd.s32 v56, v1;
	v1 =	vshll.u32 v2, $0x9  }
0x10e: {  	[tilespmem:$0x1E950] =	vst v0;
	v0 =	vadd.s32 v3, v1;
	v1 =	vshll.u32 v57, $0x9  }
0x10f: {  	[tilespmem:$0x1E960] =	vst v0;
	v0 =	vadd.s32 v58, v1;
	v1 =	vshll.u32 v59, $0x9  }
0x110: {  	[tilespmem:$0x1E970] =	vst v0;
	v0 =	vadd.s32 v60, v1  }
0x111: {  	[tilespmem:$0x1E980] =	vst v0  }
0x112: {  	[tilespmem:s25], [sflag:$0x2] =	stream.indirect.gather [hbm4b:s4+s24], $0x80, s20, s24, $0xb8;
	[tilespmem:$0x1EA00] =	vst v63  }
0x113: {  	s26 =	simm.s32 $0x1E800  }
0x114: {  	[tilespmem:s28], [sflag:$0x3] =	stream.indirect.gather [spmem:s7], $0x80, s26, s24, $0xb8;
	[tilespmem:$0x1EA00] =	vst v63  }
0x115: {  	_ = 	snop  }
0x116: {  	[tilespmem:s30], [sflag:$0x2] =	stream.indirect.gather [hbm4b:s4+s24], $0x80, s29, s24, $0xb8;
	[tilespmem:$0x1EA00] =	vst v63  }
0x117: {  	_ = 	snop  }
0x118: {  	[tilespmem:s3], [sflag:$0x3] =	stream.indirect.gather [spmem:s7], $0x80, s31, s24, $0xb8;
	[tilespmem:$0x1EA00] =	vst v63  }
0x119: {  	_ = 	snop  }
0x11a: {  	[tilespmem:s5], [sflag:$0x2] =	stream.indirect.gather [hbm4b:s4+s24], $0x80, s9, s24, $0xb8;
	[tilespmem:$0x1EA00] =	vst v63  }
0x11b: {  	_ = 	snop  }
0x11c: {  	[tilespmem:s18], [sflag:$0x3] =	stream.indirect.gather [spmem:s7], $0x80, s16, s24, $0xb8;
	[tilespmem:$0x1EA00] =	vst v63  }
0x11d: {  	_ = 	snop  }
0x11e: {  	[tilespmem:s14], [sflag:$0x2] =	stream.indirect.gather [hbm4b:s4+s12], $0x80, s13, s12, $0xb8;
	[tilespmem:$0x1EA00] =	vst v63  }
0x11f: {  	_ = 	snop  }
0x120: {  	[tilespmem:s10], [sflag:$0x3] =	stream.indirect.gather [spmem:s7], $0x80, s15, s12, $0xb8;
	[tilespmem:$0x1EA00] =	vst v63  }
0x121: {  	_ =	swait.ge [sflag:s19], $0x4000  }
0x122: {  	[sflag:s19] =	ssyncset.done $0x0  }
0x123: {  	[sflag:s19] =	ssyncadd.s32 $0xFFFFC000  }
0x124: {  	_ =	swait.ge [sflag:s0], $0x4000  }
0x125: {  	[sflag:s0] =	ssyncset.done $0x0  }
0x126: {  	[sflag:s0] =	ssyncadd.s32 $0xFFFFC000  }
0x127: {  	_ =	swait.ge [sflag:s19], $0x4000  }
0x128: {  	[sflag:s19] =	ssyncset.done $0x0  }
0x129: {  	[sflag:s19] =	ssyncadd.s32 $0xFFFFC000  }
0x12a: {  	_ =	swait.ge [sflag:s0], $0x4000  }
0x12b: {  	[sflag:s0] =	ssyncset.done $0x0  }
0x12c: {  	[sflag:s0] =	ssyncadd.s32 $0xFFFFC000  }
0x12d: {  	_ =	swait.ge [sflag:s19], $0x4000  }
0x12e: {  	[sflag:s19] =	ssyncset.done $0x0  }
0x12f: {  	[sflag:s19] =	ssyncadd.s32 $0xFFFFC000  }
0x130: {  	_ =	swait.ge [sflag:s0], $0x4000  }
0x131: {  	[sflag:s0] =	ssyncset.done $0x0  }
0x132: {  	[sflag:s0] =	ssyncadd.s32 $0xFFFFC000  }
0x133: {  	_ =	swait.ge [sflag:s19], $0x800  }
0x134: {  	[sflag:s19] =	ssyncset.done $0x0  }
0x135: {  	[sflag:s19] =	ssyncadd.s32 $0xFFFFF800  }
0x136: {  	_ =	swait.ge [sflag:s0], $0x800  }
0x137: {  	[sflag:s0] =	ssyncset.done $0x0  }
0x138: {  	s21 =	simm.s32 $0x0;
	[sflag:s0] =	ssyncadd.s32 $0xFFFFF800  }
0x139: {  	v0 =	vld [tilespmem:s21+$0x11AB0]  }
0x13a: {  	v1 =	vld [tilespmem:s21+$0x11A00]  }
0x13b: {  	v2 =	vld [tilespmem:s21+$0x11A10]  }
0x13c: {  	v3 =	vld [tilespmem:s21+$0x11A20]  }
0x13d: {  	v61 =	vld [tilespmem:s21+$0x11A30]  }
0x13e: {  	v62 =	vld [tilespmem:s21+$0x11A80]  }
0x13f: {  	v63 =	vld [tilespmem:s21+$0x11A90]  }
0x140: {  	[tilespmem:s21+$0x52B0] =	vst.add.f32.msk $0xffff, v0  }
0x141: {  	v0 =	vld [tilespmem:s21+$0x11AA0]  }
0x142: {  	[tilespmem:s21+$0x5200] =	vst.add.f32.msk $0xffff, v1  }
0x143: {  	[tilespmem:s21+$0x5210] =	vst.add.f32.msk $0xffff, v2  }
0x144: {  	[tilespmem:s21+$0x5220] =	vst.add.f32.msk $0xffff, v3  }
0x145: {  	[tilespmem:s21+$0x5230] =	vst.add.f32.msk $0xffff, v61  }
0x146: {  	[tilespmem:s21+$0x5280] =	vst.add.f32.msk $0xffff, v62  }
0x147: {  	s22 =	simm.s32 $0x0;
	s26 =	simm.s32 $0x400;
	[tilespmem:s21+$0x5290] =	vst.add.f32.msk $0xffff, v63  }
.LBB2_9:
0x148: {  	s22 =	sadd.s32 $0x2, s22;
	[tilespmem:s21+$0x52A0] =	vst.add.f32.msk $0xffff, v0;
	s21 =	sshra.s32 s26, $0x2  }
0x149: {  	v0 =	vld [tilespmem:s21+$0x11AB0];
	p0 =	slt.u32 s22, $0x18E  }
0x14a: {  	v1 =	vld [tilespmem:s21+$0x11A00]  }
0x14b: {  	v2 =	vld [tilespmem:s21+$0x11A10]  }
0x14c: {  	v3 =	vld [tilespmem:s21+$0x11A20]  }
0x14d: {  	v4 =	vld [tilespmem:s21+$0x11A30]  }
0x14e: {  	[tilespmem:s21+$0x52B0] =	vst.add.f32.msk $0xffff, v0  }
0x14f: {  	v5 =	vld [tilespmem:s21+$0x11A80]  }
0x150: {  	v6 =	vld [tilespmem:s21+$0x11A90]  }
0x151: {  	v0 =	vld [tilespmem:s21+$0x11AA0]  }
0x152: {  	[tilespmem:s21+$0x5200] =	vst.add.f32.msk $0xffff, v1  }
.Ltmp3:
0x153: {  	[tilespmem:s21+$0x5210] =	vst.add.f32.msk $0xffff, v2;
	(pc) =	sbr.rel @p0 .LBB2_9-.Ltmp3, $4  }
0x154: {  	[tilespmem:s21+$0x5220] =	vst.add.f32.msk $0xffff, v3  }
0x155: {  	[tilespmem:s21+$0x5230] =	vst.add.f32.msk $0xffff, v4  }
0x156: {  	[tilespmem:s21+$0x5280] =	vst.add.f32.msk $0xffff, v5  }
0x157: {  	s26 =	sadd.s32 $0x400, s26;
	[tilespmem:s21+$0x5290] =	vst.add.f32.msk $0xffff, v6  }
0x158: {  	s2 =	sadd.s32 $0x1, s2  }
0x159: {  	s6 =	sshll.u32 s6, $0x4;
	s26 =	rddreg [dreg:$0x6];
	p0 =	sne.s32 s2, $0x10  }
.Ltmp4:
0x15a: {  	[tilespmem:s21+$0x52A0] =	vst.add.f32.msk $0xffff, v0;
	s6 =	sadd.s32 s26, s6;
	(pc) =	sbr.rel @p0 .LBB2_8-.Ltmp4, $4  }
0x15b: {  	[hbm4b:s6+s8] =	stream.linear.scatter [tilespmem:s25], [sflag:$0x4], $0xC800, $0x38;
	[tilespmem:$0x1EA00] =	vst v63  }
0x15c: {  	_ =	swait.ge [sflag:s17], $0xC800  }
0x15d: {  	[sflag:s17] =	ssyncset.done $0x0  }
0x15e: {  	[sflag:s17] =	ssyncadd.s32 $0xFFFF3800  }
0x15f: {  	s2 =	rddreg [dreg:$0xe]  }
0x160: {  	s1 =	rddreg [dreg:$0xd];
	s2 =	sadd.s32 $0x1, s2  }
0x161: {  	p0 =	sne.s32 s2, s1  }
.Ltmp5:
0x162: {  	_ = 	snop;
	(pc) =	sbr.rel @p0 .LBB2_1-.Ltmp5, $2  }
0x163: {  	_ =	sdelay $0x2  }
0x164: {  	s21 =	simm.s32 $0x4000  }
0x165: {  	_ =	sfence.sel $0x180000  }
0x166: {  	[bflag:$0x0] =	sbarrier.arrive $0xFFFF  }
0x167: {  	_ =	strace $0x90000047  }
0x168: {  	s0 =	stileid.u32;
	[bflag:$0x2] =	sbarrier.arrive $0xFFFF  }
0x169: {  	p0 =	sne.s32 s0, $0x0;
	s0 =	rddreg [dreg:$0x8]  }
0x16a: {  	s0 =	sadd.s32 @!p0 $0x100000, s0  }
0x16b: {  	[sflag:s0] =	ssyncadd.tile.s32 @!p0 $0x1;
	_ =	shalt  }
.Lfunc_end2:
_tile_overlayer_lowered:
.L_overlay_start_2:
0x16c: {  	(tag) =	ssettag $0x2  }
0x16d: {  	s0 =	rddreg [dreg:$0x0];
	s2 =	stileid.u32  }
0x16e: {  	s1 =	rddreg [dreg:$0x1];
	p0 =	sne.s32 s2, $0x0  }
0x16f: {  	s3 =	rddreg [dreg:$0x2];
	[bflag:$0x3] =	sbarrier.arrive $0xFFFF;
	s2 =	simm.s32 @!p0 $0x1C04  }
0x170: {  	[timem:s3], [sflag:s2] =	dma.local @!p0 [hbm:s0], s1  }
0x171: {  	s0 =	simm.s32 @!p0 $0x4  }
0x172: {  	_ =	swait.ge @!p0 [sflag:s0], s1  }
0x173: {  	s1 =	ssub.s32 @!p0 $0x0, s1;
	[sflag:s0] =	ssyncset.done @!p0 $0x0  }
0x174: {  	[sflag:s0] =	ssyncadd.s32 @!p0 s1  }
0x175: {  	[bflag:$0x3] =	sbarrier.arrive $0xFFFF  }
0x176: {  	_ =	shalt  }

</sc_bundles>
